<compile_context>
chip_gen: v7x
topology: tpu7x:2x2x1
jax: 0.10.2.dev20260603
libtpu: 0.0.44.dev20260713+nightly
codegen_flags: <defaults>
</compile_context>

<pallas_src>
import functools

import jax
import jax.numpy as jnp
from jax import lax
from jax.experimental import pallas as pl
from jax.experimental.pallas import tpu as pltpu
from jax.experimental.pallas import tpu_sc as plsc

NC = 2
NS = 16
NW = NC * NS
CHUNK = 128
HISTW = 16


def _mesh():
    return plsc.VectorSubcoreMesh(core_axis_name="c", subcore_axis_name="s")


_SC_PARAMS = pltpu.CompilerParams(use_tc_tiling_on_sc=False)


def _hist_kernel(ndp, rpt, per_tile, dtype=jnp.float32):
    n_chunks = per_tile // CHUNK

    @functools.partial(
        pl.kernel,
        out_type=jax.ShapeDtypeStruct((NC, ndp, HISTW), dtype),
        mesh=_mesh(),
        compiler_params=_SC_PARAMS,
        scratch_types=[
            pltpu.VMEM((1, CHUNK), jnp.int32),
            pltpu.VMEM((CHUNK, HISTW), dtype),
            pltpu.VMEM((rpt, HISTW), dtype),
            pltpu.VMEM_SHARED((ndp, HISTW), dtype),
        ],
    )
    def hist(dst_hbm, ones_hbm, zeros_hbm, out_hbm, idx_v, ones_v, zb, deg_sh):
        c = lax.axis_index("c")
        s = lax.axis_index("s")
        wid = s * NC + c
        r0 = s * rpt
        pltpu.sync_copy(zeros_hbm.at[pl.ds(r0, rpt)], zb)
        pltpu.sync_copy(zb, deg_sh.at[pl.ds(r0, rpt)])
        pltpu.sync_copy(ones_hbm, ones_v)
        plsc.subcore_barrier()
        ebase = wid * per_tile

        def body(i, carry):
            pltpu.sync_copy(dst_hbm.at[pl.ds(ebase + i * CHUNK, CHUNK)],
                            idx_v.at[0])
            pltpu.sync_copy(ones_v, deg_sh.at[idx_v.at[0]], add=True)
            return carry

        lax.fori_loop(0, n_chunks, body, 0)
        plsc.subcore_barrier()
        pltpu.sync_copy(deg_sh.at[pl.ds(r0, rpt)],
                        out_hbm.at[c, pl.ds(r0, rpt)])

    return hist


def _edges_kernel(n_nodes, ndp, rpt, per_tile, h):
    n_chunks = per_tile // CHUNK

    @functools.partial(
        pl.kernel,
        out_type=jax.ShapeDtypeStruct((NC, ndp, h), jnp.float32),
        mesh=_mesh(),
        compiler_params=_SC_PARAMS,
        scratch_types=[
            pltpu.VMEM((1, CHUNK), jnp.int32),
            pltpu.VMEM((1, CHUNK), jnp.int32),
            pltpu.VMEM((CHUNK, h), jnp.float32),
            pltpu.VMEM((rpt, h), jnp.float32),
            pltpu.VMEM_SHARED((ndp, h), jnp.float32),
        ],
    )
    def edges(xs_hbm, src_hbm, dst_hbm, zeros_hbm, out_hbm,
              sidx, didx, rows_v, zb, acc_sh):
        c = lax.axis_index("c")
        s = lax.axis_index("s")
        wid = s * NC + c
        r0 = s * rpt
        pltpu.sync_copy(zeros_hbm.at[pl.ds(r0, rpt)], zb)
        pltpu.sync_copy(zb, acc_sh.at[pl.ds(r0, rpt)])
        plsc.subcore_barrier()
        ebase = wid * per_tile

        def body(i, carry):
            off = ebase + i * CHUNK
            pltpu.sync_copy(src_hbm.at[pl.ds(off, CHUNK)], sidx.at[0])
            pltpu.sync_copy(dst_hbm.at[pl.ds(off, CHUNK)], didx.at[0])
            pltpu.sync_copy(xs_hbm.at[sidx.at[0]], rows_v)
            pltpu.sync_copy(rows_v, acc_sh.at[didx.at[0]], add=True)
            return carry

        lax.fori_loop(0, n_chunks, body, 0)
        plsc.subcore_barrier()
        pltpu.sync_copy(acc_sh.at[pl.ds(r0, rpt)],
                        out_hbm.at[c, pl.ds(r0, rpt)])

    return edges


def _pick_block(n):
    for cand in (1024, 1000, 800, 512, 400, 256, 200, 128, 104, 80, 64, 40,
                 32, 16, 8):
        if n % cand == 0:
            return cand
    return n


def _dense_body(x_ref, w_ref, dp_ref, xs_ref):
    deg = dp_ref[0, :, 0:1] + dp_ref[1, :, 0:1] + 1.0
    dinv = lax.rsqrt(deg)
    xw = jnp.dot(x_ref[...], w_ref[...], preferred_element_type=jnp.float32)
    xs_ref[...] = xw * dinv


def _epi_body(acc_ref, xs_ref, dp_ref, b_ref, o_ref):
    deg = dp_ref[0, :, 0:1] + dp_ref[1, :, 0:1] + 1.0
    dinv = lax.rsqrt(deg)
    tot = acc_ref[0] + acc_ref[1] + xs_ref[...]
    o_ref[...] = jnp.maximum(tot * dinv + b_ref[...], 0.0)


def kernel(x, edge_index, W, b):
    n, in_dim = x.shape
    h = W.shape[1]
    e = edge_index.shape[1]
    src = edge_index[0].astype(jnp.int32)
    dst = edge_index[1].astype(jnp.int32)

    per_tile = -(-e // (NW * CHUNK)) * CHUNK
    ep = NW * per_tile
    pad = ep - e
    if pad:
        src = jnp.concatenate([src, jnp.zeros((pad,), jnp.int32)])
        dst = jnp.concatenate([dst, jnp.full((pad,), n, jnp.int32)])
    ndp = -(-(n + 1) // (NS * 8)) * (NS * 8)
    rpt = ndp // NS

    ones16 = jnp.ones((CHUNK, HISTW), jnp.float32)
    zeros16 = jnp.zeros((ndp, HISTW), jnp.float32)
    zeros_h = jnp.zeros((ndp, h), jnp.float32)

    degp = _hist_kernel(ndp, rpt, per_tile)(dst, ones16, zeros16)

    blk = _pick_block(n)
    grid = (n // blk,)
    xs = pl.pallas_call(
        _dense_body,
        grid=grid,
        in_specs=[
            pl.BlockSpec((blk, in_dim), lambda i: (i, 0)),
            pl.BlockSpec((in_dim, h), lambda i: (0, 0)),
            pl.BlockSpec((NC, blk, HISTW), lambda i: (0, i, 0)),
        ],
        out_specs=pl.BlockSpec((blk, h), lambda i: (i, 0)),
        out_shape=jax.ShapeDtypeStruct((n, h), jnp.float32),
    )(x, W, degp)

    accp = _edges_kernel(n, ndp, rpt, per_tile, h)(xs, src, dst, zeros_h)

    out = pl.pallas_call(
        _epi_body,
        grid=grid,
        in_specs=[
            pl.BlockSpec((NC, blk, h), lambda i: (0, i, 0)),
            pl.BlockSpec((blk, h), lambda i: (i, 0)),
            pl.BlockSpec((NC, blk, HISTW), lambda i: (0, i, 0)),
            pl.BlockSpec((1, h), lambda i: (0, 0)),
        ],
        out_specs=pl.BlockSpec((blk, h), lambda i: (i, 0)),
        out_shape=jax.ShapeDtypeStruct((n, h), jnp.float32),
    )(accp, xs, degp, b.reshape(1, h))
    return out

# --- scband reference (transcript-rebuilt; emitter-appended) ---
"""Pipeline reference for scband-gcnencoder-65644280152109 (READ-ONLY COPY).

The authoritative reference and input builder live on the scoring server;
editing this copy changes nothing except your own understanding.
"""

import jax, jax.numpy as jnp
import numpy as np

N_NODES = 10000
IN_DIM = 128
HID_DIM = 64
N_EDGES = 320000


def setup_inputs(seed: int = 0) -> dict:
    key = jax.random.key(seed)
    k1, k2, k3, k4 = jax.random.split(key, 4)
    x = jax.random.normal(k1, (N_NODES, IN_DIM), dtype=jnp.float32)
    edge_index = jax.random.randint(k2, (2, N_EDGES), 0, N_NODES, dtype=jnp.int64)
    # GCNConv linear weight (glorot) and bias (zeros init in PyG)
    limit = jnp.sqrt(6.0 / (IN_DIM + HID_DIM))
    W = jax.random.uniform(k3, (IN_DIM, HID_DIM), dtype=jnp.float32, minval=-limit, maxval=limit)
    b = jnp.zeros((HID_DIM,), dtype=jnp.float32)
    return {"x": x, "edge_index": edge_index, "W": W, "b": b}


def reference(x, edge_index, W, b):
    # Faithful GCNConv (PyG defaults: add_self_loops=True, normalize=True, bias=True)
    N = x.shape[0]
    loop = jnp.arange(N, dtype=edge_index.dtype)
    src = jnp.concatenate([edge_index[0], loop])
    dst = jnp.concatenate([edge_index[1], loop])
    # linear transform first (in_dim >= out_dim)
    xw = x @ W
    # symmetric normalization: deg computed on dst with unit edge weights
    deg = jnp.zeros((N,), dtype=xw.dtype).at[dst].add(1.0)
    dinv = jnp.where(deg > 0, deg ** -0.5, 0.0)
    norm = dinv[src] * dinv[dst]
    # gather messages from src, scale, scatter-add into dst
    msg = xw[src] * norm[:, None]
    out = jnp.zeros((N, xw.shape[1]), dtype=xw.dtype).at[dst].add(msg)
    out = out + b
    return jax.nn.relu(out)

if __name__ == "__main__":
    import jax
    _d = setup_inputs()
    print(jax.jit(kernel)(*tuple(_d.values())))

</pallas_src>

<mosaic_0001>
#map = affine_map<(d0, d1) -> (0)>
#map1 = affine_map<(d0, d1) -> (0, 0)>
#map2 = affine_map<(d0, d1) -> (0, 0, 0)>
module attributes {stable_mosaic.version = 14 : i64} {
  func.func @hist(%arg0: i32, %arg1: i32, %arg2: memref<323584xi32, #tpu.memory_space<hbm>>, %arg3: memref<128x16xf32, #tpu.memory_space<hbm>>, %arg4: memref<10112x16xf32, #tpu.memory_space<hbm>>, %arg5: memref<2x10112x16xf32, #tpu.memory_space<hbm>>, %arg6: memref<1x128xi32, #tpu.memory_space<vmem>>, %arg7: memref<128x16xf32, #tpu.memory_space<vmem>>, %arg8: memref<632x16xf32, #tpu.memory_space<vmem>>, %arg9: memref<10112x16xf32, #tpu.memory_space<vmem_shared>>) attributes {dimension_semantics = [#tpu.dimension_semantics<core_parallel>, #tpu.dimension_semantics<subcore_parallel>], iteration_bounds = array<i64: 2, 16>, scalar_prefetch = 0 : i64, scratch_operands = 4 : i64, tpu.core_type = #tpu.core_type<sc_vector_subcore>, window_params = [{transform_indices = #map}, {transform_indices = #map1}, {transform_indices = #map1}, {transform_indices = #map2}]} {
    %mul3A = arith.constant 2 : i32
    %mul3A_0 = arith.muli %arg1, %mul3A : i32
    %add3A = arith.addi %mul3A_0, %arg0 : i32
    %mul3A_1 = arith.constant 632 : i32
    %mul3A_2 = arith.muli %arg1, %mul3A_1 : i32
    "tpu.region"() ({
      %run_scoped3A = tpu.sem_alloc : memref<!tpu.dma_semaphore, #tpu.memory_space<semaphore_mem>>
      %dma_start3A = arith.constant 0 : i32
      %dma_start3A_11 = tpu.memref_slice %arg4[%mul3A_2, %dma_start3A] : memref<10112x16xf32, #tpu.memory_space<hbm>> -> memref<632x16xf32, #tpu.memory_space<hbm>>
      %dma_start3A_12 = arith.constant 0 : i32
      %dma_start3A_13 = tpu.memref_slice %arg4[%mul3A_2, %dma_start3A_12] : memref<10112x16xf32, #tpu.memory_space<hbm>> -> memref<632x16xf32, #tpu.memory_space<hbm>>
      tpu.enqueue_dma source(%dma_start3A_13 : memref<632x16xf32, #tpu.memory_space<hbm>>) target(%arg8 : memref<632x16xf32, #tpu.memory_space<vmem>>) target_semaphore(%run_scoped3A : memref<!tpu.dma_semaphore, #tpu.memory_space<semaphore_mem>>)
      %dma_wait3A = arith.constant 0 : i32
      %dma_wait3A_14 = tpu.memref_slice %arg4[%mul3A_2, %dma_wait3A] : memref<10112x16xf32, #tpu.memory_space<hbm>> -> memref<632x16xf32, #tpu.memory_space<hbm>>
      %dma_wait3A_15 = arith.constant 0 : i32
      %dma_wait3A_16 = tpu.memref_slice %arg4[%mul3A_2, %dma_wait3A_15] : memref<10112x16xf32, #tpu.memory_space<hbm>> -> memref<632x16xf32, #tpu.memory_space<hbm>>
      tpu.wait_dma2 semaphore(%run_scoped3A : memref<!tpu.dma_semaphore, #tpu.memory_space<semaphore_mem>>) src(%dma_wait3A_16 : memref<632x16xf32, #tpu.memory_space<hbm>>) dst(%arg8 : memref<632x16xf32, #tpu.memory_space<vmem>>)
      tpu.yield
    }) : () -> ()
    "tpu.region"() ({
      %run_scoped3A = tpu.sem_alloc : memref<!tpu.dma_semaphore, #tpu.memory_space<semaphore_mem>>
      %dma_start3A = arith.constant 0 : i32
      %dma_start3A_11 = tpu.memref_slice %arg9[%mul3A_2, %dma_start3A] : memref<10112x16xf32, #tpu.memory_space<vmem_shared>> -> memref<632x16xf32, #tpu.memory_space<vmem_shared>>
      %dma_start3A_12 = arith.constant 0 : i32
      %dma_start3A_13 = tpu.memref_slice %arg9[%mul3A_2, %dma_start3A_12] : memref<10112x16xf32, #tpu.memory_space<vmem_shared>> -> memref<632x16xf32, #tpu.memory_space<vmem_shared>>
      tpu.enqueue_dma source(%arg8 : memref<632x16xf32, #tpu.memory_space<vmem>>) target(%dma_start3A_13 : memref<632x16xf32, #tpu.memory_space<vmem_shared>>) target_semaphore(%run_scoped3A : memref<!tpu.dma_semaphore, #tpu.memory_space<semaphore_mem>>)
      %dma_wait3A = arith.constant 0 : i32
      %dma_wait3A_14 = tpu.memref_slice %arg9[%mul3A_2, %dma_wait3A] : memref<10112x16xf32, #tpu.memory_space<vmem_shared>> -> memref<632x16xf32, #tpu.memory_space<vmem_shared>>
      %dma_wait3A_15 = arith.constant 0 : i32
      %dma_wait3A_16 = tpu.memref_slice %arg9[%mul3A_2, %dma_wait3A_15] : memref<10112x16xf32, #tpu.memory_space<vmem_shared>> -> memref<632x16xf32, #tpu.memory_space<vmem_shared>>
      tpu.wait_dma2 semaphore(%run_scoped3A : memref<!tpu.dma_semaphore, #tpu.memory_space<semaphore_mem>>) src(%arg8 : memref<632x16xf32, #tpu.memory_space<vmem>>) dst(%dma_wait3A_16 : memref<632x16xf32, #tpu.memory_space<vmem_shared>>)
      tpu.yield
    }) : () -> ()
    "tpu.region"() ({
      %run_scoped3A = tpu.sem_alloc : memref<!tpu.dma_semaphore, #tpu.memory_space<semaphore_mem>>
      tpu.enqueue_dma source(%arg3 : memref<128x16xf32, #tpu.memory_space<hbm>>) target(%arg7 : memref<128x16xf32, #tpu.memory_space<vmem>>) target_semaphore(%run_scoped3A : memref<!tpu.dma_semaphore, #tpu.memory_space<semaphore_mem>>)
      tpu.wait_dma2 semaphore(%run_scoped3A : memref<!tpu.dma_semaphore, #tpu.memory_space<semaphore_mem>>) src(%arg3 : memref<128x16xf32, #tpu.memory_space<hbm>>) dst(%arg7 : memref<128x16xf32, #tpu.memory_space<vmem>>)
      tpu.yield
    }) : () -> ()
    %barrier3A = arith.constant 0 : index
    tpu.barrier barrier_id(%barrier3A)
    %mul3A_3 = arith.constant 10112 : i32
    %mul3A_4 = arith.muli %add3A, %mul3A_3 : i32
    %scan3A = arith.constant 0 : i32
    %scan3A_5 = arith.constant 0 : i32
    %scan3A_6 = arith.constant 79 : i32
    %scan3A_7 = arith.addi %scan3A_5, %scan3A_6 : i32
    %scan3A_8 = arith.constant 1 : i32
    scf.for %scan3A_11 = %scan3A_5 to %scan3A_7 step %scan3A_8  : i32 {
      %mul3A_12 = arith.constant 128 : i32
      %mul3A_13 = arith.muli %scan3A_11, %mul3A_12 : i32
      %add3A_14 = arith.addi %mul3A_4, %mul3A_13 : i32
      %run_scoped3A = arith.constant 0 : i32
      "tpu.region"() ({
        %run_scoped3A_16 = tpu.sem_alloc : memref<!tpu.dma_semaphore, #tpu.memory_space<semaphore_mem>>
        %dma_start3A = arith.constant 0 : i32
        %dma_start3A_17 = tpu.memref_slice %arg6[%run_scoped3A, %dma_start3A] : memref<1x128xi32, #tpu.memory_space<vmem>> -> memref<1x128xi32, #tpu.memory_space<vmem>>
        %dma_start3A_18 = tpu.memref_squeeze %dma_start3A_17 : memref<1x128xi32, #tpu.memory_space<vmem>> -> memref<128xi32, #tpu.memory_space<vmem>>
        %dma_start3A_19 = tpu.memref_slice %arg2[%add3A_14] : memref<323584xi32, #tpu.memory_space<hbm>> -> memref<128xi32, #tpu.memory_space<hbm>>
        %dma_start3A_20 = arith.constant 0 : i32
        %dma_start3A_21 = tpu.memref_slice %arg6[%run_scoped3A, %dma_start3A_20] : memref<1x128xi32, #tpu.memory_space<vmem>> -> memref<1x128xi32, #tpu.memory_space<vmem>>
        %dma_start3A_22 = tpu.memref_squeeze %dma_start3A_21 : memref<1x128xi32, #tpu.memory_space<vmem>> -> memref<128xi32, #tpu.memory_space<vmem>>
        %dma_start3A_23 = tpu.memref_slice %arg2[%add3A_14] : memref<323584xi32, #tpu.memory_space<hbm>> -> memref<128xi32, #tpu.memory_space<hbm>>
        tpu.enqueue_dma source(%dma_start3A_23 : memref<128xi32, #tpu.memory_space<hbm>>) target(%dma_start3A_22 : memref<128xi32, #tpu.memory_space<vmem>>) target_semaphore(%run_scoped3A_16 : memref<!tpu.dma_semaphore, #tpu.memory_space<semaphore_mem>>)
        %dma_wait3A = arith.constant 0 : i32
        %dma_wait3A_24 = tpu.memref_slice %arg6[%run_scoped3A, %dma_wait3A] : memref<1x128xi32, #tpu.memory_space<vmem>> -> memref<1x128xi32, #tpu.memory_space<vmem>>
        %dma_wait3A_25 = tpu.memref_squeeze %dma_wait3A_24 : memref<1x128xi32, #tpu.memory_space<vmem>> -> memref<128xi32, #tpu.memory_space<vmem>>
        %dma_wait3A_26 = tpu.memref_slice %arg2[%add3A_14] : memref<323584xi32, #tpu.memory_space<hbm>> -> memref<128xi32, #tpu.memory_space<hbm>>
        %dma_wait3A_27 = arith.constant 0 : i32
        %dma_wait3A_28 = tpu.memref_slice %arg6[%run_scoped3A, %dma_wait3A_27] : memref<1x128xi32, #tpu.memory_space<vmem>> -> memref<1x128xi32, #tpu.memory_space<vmem>>
        %dma_wait3A_29 = tpu.memref_squeeze %dma_wait3A_28 : memref<1x128xi32, #tpu.memory_space<vmem>> -> memref<128xi32, #tpu.memory_space<vmem>>
        %dma_wait3A_30 = tpu.memref_slice %arg2[%add3A_14] : memref<323584xi32, #tpu.memory_space<hbm>> -> memref<128xi32, #tpu.memory_space<hbm>>
        tpu.wait_dma2 semaphore(%run_scoped3A_16 : memref<!tpu.dma_semaphore, #tpu.memory_space<semaphore_mem>>) src(%dma_wait3A_30 : memref<128xi32, #tpu.memory_space<hbm>>) dst(%dma_wait3A_29 : memref<128xi32, #tpu.memory_space<vmem>>)
        tpu.yield
      }) : () -> ()
      %run_scoped3A_15 = arith.constant 0 : i32
      "tpu.region"() ({
        %run_scoped3A_16 = tpu.sem_alloc : memref<!tpu.dma_semaphore, #tpu.memory_space<semaphore_mem>>
        %dma_start3A = arith.constant 0 : i32
        %dma_start3A_17 = tpu.memref_slice %arg6[%run_scoped3A_15, %dma_start3A] : memref<1x128xi32, #tpu.memory_space<vmem>> -> memref<1x128xi32, #tpu.memory_space<vmem>>
        %dma_start3A_18 = tpu.memref_squeeze %dma_start3A_17 : memref<1x128xi32, #tpu.memory_space<vmem>> -> memref<128xi32, #tpu.memory_space<vmem>>
        %dma_start3A_19 = arith.constant 0 : i32
        %dma_start3A_20 = arith.constant 0 : i32
        %dma_start3A_21 = tpu.memref_slice %arg9[%dma_start3A_19, %dma_start3A_20] : memref<10112x16xf32, #tpu.memory_space<vmem_shared>> -> memref<10112x16xf32, #tpu.memory_space<vmem_shared>>
        tpu.enqueue_indirect_dma source(%arg7 : memref<128x16xf32, #tpu.memory_space<vmem>>) target(%dma_start3A_21 : memref<10112x16xf32, #tpu.memory_space<vmem_shared>>) offsets(%dma_start3A_18 : memref<128xi32, #tpu.memory_space<vmem>>) semaphore(%run_scoped3A_16 : memref<!tpu.dma_semaphore, #tpu.memory_space<semaphore_mem>>) {add = true}
        %dma_wait3A = arith.constant 0 : i32
        %dma_wait3A_22 = tpu.memref_slice %arg6[%run_scoped3A_15, %dma_wait3A] : memref<1x128xi32, #tpu.memory_space<vmem>> -> memref<1x128xi32, #tpu.memory_space<vmem>>
        %dma_wait3A_23 = tpu.memref_squeeze %dma_wait3A_22 : memref<1x128xi32, #tpu.memory_space<vmem>> -> memref<128xi32, #tpu.memory_space<vmem>>
        %dma_wait3A_24 = arith.constant 0 : i32
        %dma_wait3A_25 = arith.constant 0 : i32
        %dma_wait3A_26 = tpu.memref_slice %arg9[%dma_wait3A_24, %dma_wait3A_25] : memref<10112x16xf32, #tpu.memory_space<vmem_shared>> -> memref<10112x16xf32, #tpu.memory_space<vmem_shared>>
        tpu.wait_indirect_dma semaphore(%run_scoped3A_16 : memref<!tpu.dma_semaphore, #tpu.memory_space<semaphore_mem>>) src(%arg7 : memref<128x16xf32, #tpu.memory_space<vmem>>) dst(%dma_wait3A_26 : memref<10112x16xf32, #tpu.memory_space<vmem_shared>>)
        tpu.yield
      }) : () -> ()
    }
    %scan3A_9 = arith.constant 79 : i32
    %barrier3A_10 = arith.constant 0 : index
    tpu.barrier barrier_id(%barrier3A_10)
    "tpu.region"() ({
      %run_scoped3A = tpu.sem_alloc : memref<!tpu.dma_semaphore, #tpu.memory_space<semaphore_mem>>
      %dma_start3A = arith.constant 0 : i32
      %dma_start3A_11 = tpu.memref_slice %arg5[%arg0, %mul3A_2, %dma_start3A] : memref<2x10112x16xf32, #tpu.memory_space<hbm>> -> memref<1x632x16xf32, #tpu.memory_space<hbm>>
      %dma_start3A_12 = tpu.memref_squeeze %dma_start3A_11 : memref<1x632x16xf32, #tpu.memory_space<hbm>> -> memref<632x16xf32, #tpu.memory_space<hbm>>
      %dma_start3A_13 = arith.constant 0 : i32
      %dma_start3A_14 = tpu.memref_slice %arg9[%mul3A_2, %dma_start3A_13] : memref<10112x16xf32, #tpu.memory_space<vmem_shared>> -> memref<632x16xf32, #tpu.memory_space<vmem_shared>>
      tpu.enqueue_dma source(%dma_start3A_14 : memref<632x16xf32, #tpu.memory_space<vmem_shared>>) target(%dma_start3A_12 : memref<632x16xf32, #tpu.memory_space<hbm>>) target_semaphore(%run_scoped3A : memref<!tpu.dma_semaphore, #tpu.memory_space<semaphore_mem>>)
      %dma_wait3A = arith.constant 0 : i32
      %dma_wait3A_15 = tpu.memref_slice %arg5[%arg0, %mul3A_2, %dma_wait3A] : memref<2x10112x16xf32, #tpu.memory_space<hbm>> -> memref<1x632x16xf32, #tpu.memory_space<hbm>>
      %dma_wait3A_16 = tpu.memref_squeeze %dma_wait3A_15 : memref<1x632x16xf32, #tpu.memory_space<hbm>> -> memref<632x16xf32, #tpu.memory_space<hbm>>
      %dma_wait3A_17 = arith.constant 0 : i32
      %dma_wait3A_18 = tpu.memref_slice %arg9[%mul3A_2, %dma_wait3A_17] : memref<10112x16xf32, #tpu.memory_space<vmem_shared>> -> memref<632x16xf32, #tpu.memory_space<vmem_shared>>
      tpu.wait_dma2 semaphore(%run_scoped3A : memref<!tpu.dma_semaphore, #tpu.memory_space<semaphore_mem>>) src(%dma_wait3A_18 : memref<632x16xf32, #tpu.memory_space<vmem_shared>>) dst(%dma_wait3A_16 : memref<632x16xf32, #tpu.memory_space<hbm>>)
      tpu.yield
    }) : () -> ()
    return
  }
}

#map = affine_map<(d0, d1) -> (0, 0)>
#map1 = affine_map<(d0, d1) -> (0)>
#map2 = affine_map<(d0, d1) -> (0, 0, 0)>
module attributes {stable_mosaic.version = 14 : i64} {
  func.func @edges(%arg0: i32, %arg1: i32, %arg2: memref<10000x64xf32, #tpu.memory_space<hbm>>, %arg3: memref<323584xi32, #tpu.memory_space<hbm>>, %arg4: memref<323584xi32, #tpu.memory_space<hbm>>, %arg5: memref<10112x64xf32, #tpu.memory_space<hbm>>, %arg6: memref<2x10112x64xf32, #tpu.memory_space<hbm>>, %arg7: memref<1x128xi32, #tpu.memory_space<vmem>>, %arg8: memref<1x128xi32, #tpu.memory_space<vmem>>, %arg9: memref<128x64xf32, #tpu.memory_space<vmem>>, %arg10: memref<632x64xf32, #tpu.memory_space<vmem>>, %arg11: memref<10112x64xf32, #tpu.memory_space<vmem_shared>>) attributes {dimension_semantics = [#tpu.dimension_semantics<core_parallel>, #tpu.dimension_semantics<subcore_parallel>], iteration_bounds = array<i64: 2, 16>, scalar_prefetch = 0 : i64, scratch_operands = 5 : i64, tpu.core_type = #tpu.core_type<sc_vector_subcore>, window_params = [{transform_indices = #map}, {transform_indices = #map1}, {transform_indices = #map1}, {transform_indices = #map}, {transform_indices = #map2}]} {
    %mul3A = arith.constant 2 : i32
    %mul3A_0 = arith.muli %arg1, %mul3A : i32
    %add3A = arith.addi %mul3A_0, %arg0 : i32
    %mul3A_1 = arith.constant 632 : i32
    %mul3A_2 = arith.muli %arg1, %mul3A_1 : i32
    "tpu.region"() ({
      %run_scoped3A = tpu.sem_alloc : memref<!tpu.dma_semaphore, #tpu.memory_space<semaphore_mem>>
      %dma_start3A = arith.constant 0 : i32
      %dma_start3A_11 = tpu.memref_slice %arg5[%mul3A_2, %dma_start3A] : memref<10112x64xf32, #tpu.memory_space<hbm>> -> memref<632x64xf32, #tpu.memory_space<hbm>>
      %dma_start3A_12 = arith.constant 0 : i32
      %dma_start3A_13 = tpu.memref_slice %arg5[%mul3A_2, %dma_start3A_12] : memref<10112x64xf32, #tpu.memory_space<hbm>> -> memref<632x64xf32, #tpu.memory_space<hbm>>
      tpu.enqueue_dma source(%dma_start3A_13 : memref<632x64xf32, #tpu.memory_space<hbm>>) target(%arg10 : memref<632x64xf32, #tpu.memory_space<vmem>>) target_semaphore(%run_scoped3A : memref<!tpu.dma_semaphore, #tpu.memory_space<semaphore_mem>>)
      %dma_wait3A = arith.constant 0 : i32
      %dma_wait3A_14 = tpu.memref_slice %arg5[%mul3A_2, %dma_wait3A] : memref<10112x64xf32, #tpu.memory_space<hbm>> -> memref<632x64xf32, #tpu.memory_space<hbm>>
      %dma_wait3A_15 = arith.constant 0 : i32
      %dma_wait3A_16 = tpu.memref_slice %arg5[%mul3A_2, %dma_wait3A_15] : memref<10112x64xf32, #tpu.memory_space<hbm>> -> memref<632x64xf32, #tpu.memory_space<hbm>>
      tpu.wait_dma2 semaphore(%run_scoped3A : memref<!tpu.dma_semaphore, #tpu.memory_space<semaphore_mem>>) src(%dma_wait3A_16 : memref<632x64xf32, #tpu.memory_space<hbm>>) dst(%arg10 : memref<632x64xf32, #tpu.memory_space<vmem>>)
      tpu.yield
    }) : () -> ()
    "tpu.region"() ({
      %run_scoped3A = tpu.sem_alloc : memref<!tpu.dma_semaphore, #tpu.memory_space<semaphore_mem>>
      %dma_start3A = arith.constant 0 : i32
      %dma_start3A_11 = tpu.memref_slice %arg11[%mul3A_2, %dma_start3A] : memref<10112x64xf32, #tpu.memory_space<vmem_shared>> -> memref<632x64xf32, #tpu.memory_space<vmem_shared>>
      %dma_start3A_12 = arith.constant 0 : i32
      %dma_start3A_13 = tpu.memref_slice %arg11[%mul3A_2, %dma_start3A_12] : memref<10112x64xf32, #tpu.memory_space<vmem_shared>> -> memref<632x64xf32, #tpu.memory_space<vmem_shared>>
      tpu.enqueue_dma source(%arg10 : memref<632x64xf32, #tpu.memory_space<vmem>>) target(%dma_start3A_13 : memref<632x64xf32, #tpu.memory_space<vmem_shared>>) target_semaphore(%run_scoped3A : memref<!tpu.dma_semaphore, #tpu.memory_space<semaphore_mem>>)
      %dma_wait3A = arith.constant 0 : i32
      %dma_wait3A_14 = tpu.memref_slice %arg11[%mul3A_2, %dma_wait3A] : memref<10112x64xf32, #tpu.memory_space<vmem_shared>> -> memref<632x64xf32, #tpu.memory_space<vmem_shared>>
      %dma_wait3A_15 = arith.constant 0 : i32
      %dma_wait3A_16 = tpu.memref_slice %arg11[%mul3A_2, %dma_wait3A_15] : memref<10112x64xf32, #tpu.memory_space<vmem_shared>> -> memref<632x64xf32, #tpu.memory_space<vmem_shared>>
      tpu.wait_dma2 semaphore(%run_scoped3A : memref<!tpu.dma_semaphore, #tpu.memory_space<semaphore_mem>>) src(%arg10 : memref<632x64xf32, #tpu.memory_space<vmem>>) dst(%dma_wait3A_16 : memref<632x64xf32, #tpu.memory_space<vmem_shared>>)
      tpu.yield
    }) : () -> ()
    %barrier3A = arith.constant 0 : index
    tpu.barrier barrier_id(%barrier3A)
    %mul3A_3 = arith.constant 10112 : i32
    %mul3A_4 = arith.muli %add3A, %mul3A_3 : i32
    %scan3A = arith.constant 0 : i32
    %scan3A_5 = arith.constant 0 : i32
    %scan3A_6 = arith.constant 79 : i32
    %scan3A_7 = arith.addi %scan3A_5, %scan3A_6 : i32
    %scan3A_8 = arith.constant 1 : i32
    scf.for %scan3A_11 = %scan3A_5 to %scan3A_7 step %scan3A_8  : i32 {
      %mul3A_12 = arith.constant 128 : i32
      %mul3A_13 = arith.muli %scan3A_11, %mul3A_12 : i32
      %add3A_14 = arith.addi %mul3A_4, %mul3A_13 : i32
      %run_scoped3A = arith.constant 0 : i32
      "tpu.region"() ({
        %run_scoped3A_18 = tpu.sem_alloc : memref<!tpu.dma_semaphore, #tpu.memory_space<semaphore_mem>>
        %dma_start3A = arith.constant 0 : i32
        %dma_start3A_19 = tpu.memref_slice %arg7[%run_scoped3A, %dma_start3A] : memref<1x128xi32, #tpu.memory_space<vmem>> -> memref<1x128xi32, #tpu.memory_space<vmem>>
        %dma_start3A_20 = tpu.memref_squeeze %dma_start3A_19 : memref<1x128xi32, #tpu.memory_space<vmem>> -> memref<128xi32, #tpu.memory_space<vmem>>
        %dma_start3A_21 = tpu.memref_slice %arg3[%add3A_14] : memref<323584xi32, #tpu.memory_space<hbm>> -> memref<128xi32, #tpu.memory_space<hbm>>
        %dma_start3A_22 = arith.constant 0 : i32
        %dma_start3A_23 = tpu.memref_slice %arg7[%run_scoped3A, %dma_start3A_22] : memref<1x128xi32, #tpu.memory_space<vmem>> -> memref<1x128xi32, #tpu.memory_space<vmem>>
        %dma_start3A_24 = tpu.memref_squeeze %dma_start3A_23 : memref<1x128xi32, #tpu.memory_space<vmem>> -> memref<128xi32, #tpu.memory_space<vmem>>
        %dma_start3A_25 = tpu.memref_slice %arg3[%add3A_14] : memref<323584xi32, #tpu.memory_space<hbm>> -> memref<128xi32, #tpu.memory_space<hbm>>
        tpu.enqueue_dma source(%dma_start3A_25 : memref<128xi32, #tpu.memory_space<hbm>>) target(%dma_start3A_24 : memref<128xi32, #tpu.memory_space<vmem>>) target_semaphore(%run_scoped3A_18 : memref<!tpu.dma_semaphore, #tpu.memory_space<semaphore_mem>>)
        %dma_wait3A = arith.constant 0 : i32
        %dma_wait3A_26 = tpu.memref_slice %arg7[%run_scoped3A, %dma_wait3A] : memref<1x128xi32, #tpu.memory_space<vmem>> -> memref<1x128xi32, #tpu.memory_space<vmem>>
        %dma_wait3A_27 = tpu.memref_squeeze %dma_wait3A_26 : memref<1x128xi32, #tpu.memory_space<vmem>> -> memref<128xi32, #tpu.memory_space<vmem>>
        %dma_wait3A_28 = tpu.memref_slice %arg3[%add3A_14] : memref<323584xi32, #tpu.memory_space<hbm>> -> memref<128xi32, #tpu.memory_space<hbm>>
        %dma_wait3A_29 = arith.constant 0 : i32
        %dma_wait3A_30 = tpu.memref_slice %arg7[%run_scoped3A, %dma_wait3A_29] : memref<1x128xi32, #tpu.memory_space<vmem>> -> memref<1x128xi32, #tpu.memory_space<vmem>>
        %dma_wait3A_31 = tpu.memref_squeeze %dma_wait3A_30 : memref<1x128xi32, #tpu.memory_space<vmem>> -> memref<128xi32, #tpu.memory_space<vmem>>
        %dma_wait3A_32 = tpu.memref_slice %arg3[%add3A_14] : memref<323584xi32, #tpu.memory_space<hbm>> -> memref<128xi32, #tpu.memory_space<hbm>>
        tpu.wait_dma2 semaphore(%run_scoped3A_18 : memref<!tpu.dma_semaphore, #tpu.memory_space<semaphore_mem>>) src(%dma_wait3A_32 : memref<128xi32, #tpu.memory_space<hbm>>) dst(%dma_wait3A_31 : memref<128xi32, #tpu.memory_space<vmem>>)
        tpu.yield
      }) : () -> ()
      %run_scoped3A_15 = arith.constant 0 : i32
      "tpu.region"() ({
        %run_scoped3A_18 = tpu.sem_alloc : memref<!tpu.dma_semaphore, #tpu.memory_space<semaphore_mem>>
        %dma_start3A = arith.constant 0 : i32
        %dma_start3A_19 = tpu.memref_slice %arg8[%run_scoped3A_15, %dma_start3A] : memref<1x128xi32, #tpu.memory_space<vmem>> -> memref<1x128xi32, #tpu.memory_space<vmem>>
        %dma_start3A_20 = tpu.memref_squeeze %dma_start3A_19 : memref<1x128xi32, #tpu.memory_space<vmem>> -> memref<128xi32, #tpu.memory_space<vmem>>
        %dma_start3A_21 = tpu.memref_slice %arg4[%add3A_14] : memref<323584xi32, #tpu.memory_space<hbm>> -> memref<128xi32, #tpu.memory_space<hbm>>
        %dma_start3A_22 = arith.constant 0 : i32
        %dma_start3A_23 = tpu.memref_slice %arg8[%run_scoped3A_15, %dma_start3A_22] : memref<1x128xi32, #tpu.memory_space<vmem>> -> memref<1x128xi32, #tpu.memory_space<vmem>>
        %dma_start3A_24 = tpu.memref_squeeze %dma_start3A_23 : memref<1x128xi32, #tpu.memory_space<vmem>> -> memref<128xi32, #tpu.memory_space<vmem>>
        %dma_start3A_25 = tpu.memref_slice %arg4[%add3A_14] : memref<323584xi32, #tpu.memory_space<hbm>> -> memref<128xi32, #tpu.memory_space<hbm>>
        tpu.enqueue_dma source(%dma_start3A_25 : memref<128xi32, #tpu.memory_space<hbm>>) target(%dma_start3A_24 : memref<128xi32, #tpu.memory_space<vmem>>) target_semaphore(%run_scoped3A_18 : memref<!tpu.dma_semaphore, #tpu.memory_space<semaphore_mem>>)
        %dma_wait3A = arith.constant 0 : i32
        %dma_wait3A_26 = tpu.memref_slice %arg8[%run_scoped3A_15, %dma_wait3A] : memref<1x128xi32, #tpu.memory_space<vmem>> -> memref<1x128xi32, #tpu.memory_space<vmem>>
        %dma_wait3A_27 = tpu.memref_squeeze %dma_wait3A_26 : memref<1x128xi32, #tpu.memory_space<vmem>> -> memref<128xi32, #tpu.memory_space<vmem>>
        %dma_wait3A_28 = tpu.memref_slice %arg4[%add3A_14] : memref<323584xi32, #tpu.memory_space<hbm>> -> memref<128xi32, #tpu.memory_space<hbm>>
        %dma_wait3A_29 = arith.constant 0 : i32
        %dma_wait3A_30 = tpu.memref_slice %arg8[%run_scoped3A_15, %dma_wait3A_29] : memref<1x128xi32, #tpu.memory_space<vmem>> -> memref<1x128xi32, #tpu.memory_space<vmem>>
        %dma_wait3A_31 = tpu.memref_squeeze %dma_wait3A_30 : memref<1x128xi32, #tpu.memory_space<vmem>> -> memref<128xi32, #tpu.memory_space<vmem>>
        %dma_wait3A_32 = tpu.memref_slice %arg4[%add3A_14] : memref<323584xi32, #tpu.memory_space<hbm>> -> memref<128xi32, #tpu.memory_space<hbm>>
        tpu.wait_dma2 semaphore(%run_scoped3A_18 : memref<!tpu.dma_semaphore, #tpu.memory_space<semaphore_mem>>) src(%dma_wait3A_32 : memref<128xi32, #tpu.memory_space<hbm>>) dst(%dma_wait3A_31 : memref<128xi32, #tpu.memory_space<vmem>>)
        tpu.yield
      }) : () -> ()
      %run_scoped3A_16 = arith.constant 0 : i32
      "tpu.region"() ({
        %run_scoped3A_18 = tpu.sem_alloc : memref<!tpu.dma_semaphore, #tpu.memory_space<semaphore_mem>>
        %dma_start3A = arith.constant 0 : i32
        %dma_start3A_19 = tpu.memref_slice %arg7[%run_scoped3A_16, %dma_start3A] : memref<1x128xi32, #tpu.memory_space<vmem>> -> memref<1x128xi32, #tpu.memory_space<vmem>>
        %dma_start3A_20 = tpu.memref_squeeze %dma_start3A_19 : memref<1x128xi32, #tpu.memory_space<vmem>> -> memref<128xi32, #tpu.memory_space<vmem>>
        %dma_start3A_21 = arith.constant 0 : i32
        %dma_start3A_22 = arith.constant 0 : i32
        %dma_start3A_23 = tpu.memref_slice %arg2[%dma_start3A_21, %dma_start3A_22] : memref<10000x64xf32, #tpu.memory_space<hbm>> -> memref<10000x64xf32, #tpu.memory_space<hbm>>
        tpu.enqueue_indirect_dma source(%dma_start3A_23 : memref<10000x64xf32, #tpu.memory_space<hbm>>) target(%arg9 : memref<128x64xf32, #tpu.memory_space<vmem>>) offsets(%dma_start3A_20 : memref<128xi32, #tpu.memory_space<vmem>>) semaphore(%run_scoped3A_18 : memref<!tpu.dma_semaphore, #tpu.memory_space<semaphore_mem>>)
        %dma_wait3A = arith.constant 0 : i32
        %dma_wait3A_24 = tpu.memref_slice %arg7[%run_scoped3A_16, %dma_wait3A] : memref<1x128xi32, #tpu.memory_space<vmem>> -> memref<1x128xi32, #tpu.memory_space<vmem>>
        %dma_wait3A_25 = tpu.memref_squeeze %dma_wait3A_24 : memref<1x128xi32, #tpu.memory_space<vmem>> -> memref<128xi32, #tpu.memory_space<vmem>>
        %dma_wait3A_26 = arith.constant 0 : i32
        %dma_wait3A_27 = arith.constant 0 : i32
        %dma_wait3A_28 = tpu.memref_slice %arg2[%dma_wait3A_26, %dma_wait3A_27] : memref<10000x64xf32, #tpu.memory_space<hbm>> -> memref<10000x64xf32, #tpu.memory_space<hbm>>
        tpu.wait_indirect_dma semaphore(%run_scoped3A_18 : memref<!tpu.dma_semaphore, #tpu.memory_space<semaphore_mem>>) src(%dma_wait3A_28 : memref<10000x64xf32, #tpu.memory_space<hbm>>) dst(%arg9 : memref<128x64xf32, #tpu.memory_space<vmem>>)
        tpu.yield
      }) : () -> ()
      %run_scoped3A_17 = arith.constant 0 : i32
      "tpu.region"() ({
        %run_scoped3A_18 = tpu.sem_alloc : memref<!tpu.dma_semaphore, #tpu.memory_space<semaphore_mem>>
        %dma_start3A = arith.constant 0 : i32
        %dma_start3A_19 = tpu.memref_slice %arg8[%run_scoped3A_17, %dma_start3A] : memref<1x128xi32, #tpu.memory_space<vmem>> -> memref<1x128xi32, #tpu.memory_space<vmem>>
        %dma_start3A_20 = tpu.memref_squeeze %dma_start3A_19 : memref<1x128xi32, #tpu.memory_space<vmem>> -> memref<128xi32, #tpu.memory_space<vmem>>
        %dma_start3A_21 = arith.constant 0 : i32
        %dma_start3A_22 = arith.constant 0 : i32
        %dma_start3A_23 = tpu.memref_slice %arg11[%dma_start3A_21, %dma_start3A_22] : memref<10112x64xf32, #tpu.memory_space<vmem_shared>> -> memref<10112x64xf32, #tpu.memory_space<vmem_shared>>
        tpu.enqueue_indirect_dma source(%arg9 : memref<128x64xf32, #tpu.memory_space<vmem>>) target(%dma_start3A_23 : memref<10112x64xf32, #tpu.memory_space<vmem_shared>>) offsets(%dma_start3A_20 : memref<128xi32, #tpu.memory_space<vmem>>) semaphore(%run_scoped3A_18 : memref<!tpu.dma_semaphore, #tpu.memory_space<semaphore_mem>>) {add = true}
        %dma_wait3A = arith.constant 0 : i32
        %dma_wait3A_24 = tpu.memref_slice %arg8[%run_scoped3A_17, %dma_wait3A] : memref<1x128xi32, #tpu.memory_space<vmem>> -> memref<1x128xi32, #tpu.memory_space<vmem>>
        %dma_wait3A_25 = tpu.memref_squeeze %dma_wait3A_24 : memref<1x128xi32, #tpu.memory_space<vmem>> -> memref<128xi32, #tpu.memory_space<vmem>>
        %dma_wait3A_26 = arith.constant 0 : i32
        %dma_wait3A_27 = arith.constant 0 : i32
        %dma_wait3A_28 = tpu.memref_slice %arg11[%dma_wait3A_26, %dma_wait3A_27] : memref<10112x64xf32, #tpu.memory_space<vmem_shared>> -> memref<10112x64xf32, #tpu.memory_space<vmem_shared>>
        tpu.wait_indirect_dma semaphore(%run_scoped3A_18 : memref<!tpu.dma_semaphore, #tpu.memory_space<semaphore_mem>>) src(%arg9 : memref<128x64xf32, #tpu.memory_space<vmem>>) dst(%dma_wait3A_28 : memref<10112x64xf32, #tpu.memory_space<vmem_shared>>)
        tpu.yield
      }) : () -> ()
    }
    %scan3A_9 = arith.constant 79 : i32
    %barrier3A_10 = arith.constant 0 : index
    tpu.barrier barrier_id(%barrier3A_10)
    "tpu.region"() ({
      %run_scoped3A = tpu.sem_alloc : memref<!tpu.dma_semaphore, #tpu.memory_space<semaphore_mem>>
      %dma_start3A = arith.constant 0 : i32
      %dma_start3A_11 = tpu.memref_slice %arg6[%arg0, %mul3A_2, %dma_start3A] : memref<2x10112x64xf32, #tpu.memory_space<hbm>> -> memref<1x632x64xf32, #tpu.memory_space<hbm>>
      %dma_start3A_12 = tpu.memref_squeeze %dma_start3A_11 : memref<1x632x64xf32, #tpu.memory_space<hbm>> -> memref<632x64xf32, #tpu.memory_space<hbm>>
      %dma_start3A_13 = arith.constant 0 : i32
      %dma_start3A_14 = tpu.memref_slice %arg11[%mul3A_2, %dma_start3A_13] : memref<10112x64xf32, #tpu.memory_space<vmem_shared>> -> memref<632x64xf32, #tpu.memory_space<vmem_shared>>
      tpu.enqueue_dma source(%dma_start3A_14 : memref<632x64xf32, #tpu.memory_space<vmem_shared>>) target(%dma_start3A_12 : memref<632x64xf32, #tpu.memory_space<hbm>>) target_semaphore(%run_scoped3A : memref<!tpu.dma_semaphore, #tpu.memory_space<semaphore_mem>>)
      %dma_wait3A = arith.constant 0 : i32
      %dma_wait3A_15 = tpu.memref_slice %arg6[%arg0, %mul3A_2, %dma_wait3A] : memref<2x10112x64xf32, #tpu.memory_space<hbm>> -> memref<1x632x64xf32, #tpu.memory_space<hbm>>
      %dma_wait3A_16 = tpu.memref_squeeze %dma_wait3A_15 : memref<1x632x64xf32, #tpu.memory_space<hbm>> -> memref<632x64xf32, #tpu.memory_space<hbm>>
      %dma_wait3A_17 = arith.constant 0 : i32
      %dma_wait3A_18 = tpu.memref_slice %arg11[%mul3A_2, %dma_wait3A_17] : memref<10112x64xf32, #tpu.memory_space<vmem_shared>> -> memref<632x64xf32, #tpu.memory_space<vmem_shared>>
      tpu.wait_dma2 semaphore(%run_scoped3A : memref<!tpu.dma_semaphore, #tpu.memory_space<semaphore_mem>>) src(%dma_wait3A_18 : memref<632x64xf32, #tpu.memory_space<vmem_shared>>) dst(%dma_wait3A_16 : memref<632x64xf32, #tpu.memory_space<hbm>>)
      tpu.yield
    }) : () -> ()
    return
  }
}

module attributes {stable_mosaic.version = 14 : i64} {
  func.func @_dense_body(%arg0: i32, %arg1: memref<1000x128xf32, #tpu.memory_space<vmem>>, %arg2: memref<128x64xf32, #tpu.memory_space<vmem>>, %arg3: memref<2x1000x16xf32, #tpu.memory_space<vmem>>, %arg4: memref<1000x64xf32, #tpu.memory_space<vmem>>) attributes {dimension_semantics = [#tpu.dimension_semantics<arbitrary>], iteration_bounds = array<i64: 10>, scalar_prefetch = 0 : i64, scratch_operands = 0 : i64, tpu.core_type = #tpu.core_type<tc>, window_params = [{transform_indices = @transform_0, window_bounds = array<i64: 1000, 128>}, {pipeline_mode = #tpu.pipeline_mode<synchronous>, transform_indices = @transform_1, window_bounds = array<i64: 128, 64>}, {transform_indices = @transform_2, window_bounds = array<i64: 2, 1000, 16>}, {transform_indices = @transform_3, window_bounds = array<i64: 1000, 64>}]} {
    %get3A = arith.constant 0 : index
    %get3A_0 = arith.constant 0 : index
    %get3A_1 = arith.constant 0 : index
    %get3A_2 = vector.load %arg3[%get3A, %get3A_0, %get3A_1] : memref<2x1000x16xf32, #tpu.memory_space<vmem>>, vector<1x1000x1xf32>
    %get3A_3 = vector.shape_cast %get3A_2 : vector<1x1000x1xf32> to vector<1000x1xf32>
    %get3A_4 = arith.constant 1 : index
    %get3A_5 = arith.constant 0 : index
    %get3A_6 = arith.constant 0 : index
    %get3A_7 = vector.load %arg3[%get3A_4, %get3A_5, %get3A_6] : memref<2x1000x16xf32, #tpu.memory_space<vmem>>, vector<1x1000x1xf32>
    %get3A_8 = vector.shape_cast %get3A_7 : vector<1x1000x1xf32> to vector<1000x1xf32>
    %add3A = arith.addf %get3A_3, %get3A_8 : vector<1000x1xf32>
    %add3A_9 = arith.constant 1.000000e+00 : f32
    %add3A_10 = vector.broadcast %add3A_9 : f32 to vector<1000x1xf32>
    %add3A_11 = arith.addf %add3A, %add3A_10 : vector<1000x1xf32>
    %rsqrt3A = math.rsqrt %add3A_11 : vector<1000x1xf32>
    %get3A_12 = arith.constant 0 : index
    %get3A_13 = arith.constant 0 : index
    %get3A_14 = vector.load %arg1[%get3A_12, %get3A_13] : memref<1000x128xf32, #tpu.memory_space<vmem>>, vector<1000x128xf32>
    %get3A_15 = arith.constant 0 : index
    %get3A_16 = arith.constant 0 : index
    %get3A_17 = vector.load %arg2[%get3A_15, %get3A_16] : memref<128x64xf32, #tpu.memory_space<vmem>>, vector<128x64xf32>
    %dot_general3A = arith.constant dense<0.000000e+00> : vector<1000x64xf32>
    %dot_general3A_18 = tpu.matmul %get3A_14, %get3A_17, %dot_general3A {dimension_numbers = #tpu.dot_dimension_numbers<[1], [0], [0], [1], [0, 0, 1, 1], [], []>, transpose_lhs_hint = false} : vector<1000x128xf32>, vector<128x64xf32>, vector<1000x64xf32> -> vector<1000x64xf32>
    %mul3A = vector.broadcast %rsqrt3A : vector<1000x1xf32> to vector<1000x64xf32>
    %mul3A_19 = arith.mulf %dot_general3A_18, %mul3A : vector<1000x64xf32>
    %swap3A = arith.constant 0 : index
    %swap3A_20 = arith.constant 0 : index
    %swap3A_21 = vector.load %arg4[%swap3A, %swap3A_20] : memref<1000x64xf32, #tpu.memory_space<vmem>>, vector<1000x64xf32>
    tpu.vector_store %arg4[%swap3A, %swap3A_20], %mul3A_19 {strides = array<i32>} : memref<1000x64xf32, #tpu.memory_space<vmem>>, vector<1000x64xf32>,
    return
  }
  func.func @transform_0(%arg0: i32) -> (i32, i32) {
    %c0_i32 = arith.constant 0 : i32
    %c0_i32_0 = arith.constant 0 : i32
    return %arg0, %c0_i32 : i32, i32
  }
  func.func @transform_1(%arg0: i32) -> (i32, i32) {
    %c0_i32 = arith.constant 0 : i32
    %c0_i32_0 = arith.constant 0 : i32
    %c0_i32_1 = arith.constant 0 : i32
    return %c0_i32, %c0_i32_0 : i32, i32
  }
  func.func @transform_2(%arg0: i32) -> (i32, i32, i32) {
    %c0_i32 = arith.constant 0 : i32
    %c0_i32_0 = arith.constant 0 : i32
    %c0_i32_1 = arith.constant 0 : i32
    return %c0_i32, %arg0, %c0_i32_0 : i32, i32, i32
  }
  func.func @transform_3(%arg0: i32) -> (i32, i32) {
    %c0_i32 = arith.constant 0 : i32
    %c0_i32_0 = arith.constant 0 : i32
    return %arg0, %c0_i32 : i32, i32
  }
}

module attributes {stable_mosaic.version = 14 : i64} {
  func.func @_epi_body(%arg0: i32, %arg1: memref<2x1000x64xf32, #tpu.memory_space<vmem>>, %arg2: memref<1000x64xf32, #tpu.memory_space<vmem>>, %arg3: memref<2x1000x16xf32, #tpu.memory_space<vmem>>, %arg4: memref<1x64xf32, #tpu.memory_space<vmem>>, %arg5: memref<1000x64xf32, #tpu.memory_space<vmem>>) attributes {dimension_semantics = [#tpu.dimension_semantics<arbitrary>], iteration_bounds = array<i64: 10>, scalar_prefetch = 0 : i64, scratch_operands = 0 : i64, tpu.core_type = #tpu.core_type<tc>, window_params = [{transform_indices = @transform_0, window_bounds = array<i64: 2, 1000, 64>}, {transform_indices = @transform_1, window_bounds = array<i64: 1000, 64>}, {transform_indices = @transform_2, window_bounds = array<i64: 2, 1000, 16>}, {pipeline_mode = #tpu.pipeline_mode<synchronous>, transform_indices = @transform_3, window_bounds = array<i64: 1, 64>}, {transform_indices = @transform_4, window_bounds = array<i64: 1000, 64>}]} {
    %get3A = arith.constant 0 : index
    %get3A_0 = arith.constant 0 : index
    %get3A_1 = arith.constant 0 : index
    %get3A_2 = vector.load %arg3[%get3A, %get3A_0, %get3A_1] : memref<2x1000x16xf32, #tpu.memory_space<vmem>>, vector<1x1000x1xf32>
    %get3A_3 = vector.shape_cast %get3A_2 : vector<1x1000x1xf32> to vector<1000x1xf32>
    %get3A_4 = arith.constant 1 : index
    %get3A_5 = arith.constant 0 : index
    %get3A_6 = arith.constant 0 : index
    %get3A_7 = vector.load %arg3[%get3A_4, %get3A_5, %get3A_6] : memref<2x1000x16xf32, #tpu.memory_space<vmem>>, vector<1x1000x1xf32>
    %get3A_8 = vector.shape_cast %get3A_7 : vector<1x1000x1xf32> to vector<1000x1xf32>
    %add3A = arith.addf %get3A_3, %get3A_8 : vector<1000x1xf32>
    %add3A_9 = arith.constant 1.000000e+00 : f32
    %add3A_10 = vector.broadcast %add3A_9 : f32 to vector<1000x1xf32>
    %add3A_11 = arith.addf %add3A, %add3A_10 : vector<1000x1xf32>
    %rsqrt3A = math.rsqrt %add3A_11 : vector<1000x1xf32>
    %get3A_12 = arith.constant 0 : index
    %get3A_13 = arith.constant 0 : index
    %get3A_14 = arith.constant 0 : index
    %get3A_15 = vector.load %arg1[%get3A_12, %get3A_13, %get3A_14] : memref<2x1000x64xf32, #tpu.memory_space<vmem>>, vector<1x1000x64xf32>
    %get3A_16 = vector.shape_cast %get3A_15 : vector<1x1000x64xf32> to vector<1000x64xf32>
    %get3A_17 = arith.constant 1 : index
    %get3A_18 = arith.constant 0 : index
    %get3A_19 = arith.constant 0 : index
    %get3A_20 = vector.load %arg1[%get3A_17, %get3A_18, %get3A_19] : memref<2x1000x64xf32, #tpu.memory_space<vmem>>, vector<1x1000x64xf32>
    %get3A_21 = vector.shape_cast %get3A_20 : vector<1x1000x64xf32> to vector<1000x64xf32>
    %add3A_22 = arith.addf %get3A_16, %get3A_21 : vector<1000x64xf32>
    %get3A_23 = arith.constant 0 : index
    %get3A_24 = arith.constant 0 : index
    %get3A_25 = vector.load %arg2[%get3A_23, %get3A_24] : memref<1000x64xf32, #tpu.memory_space<vmem>>, vector<1000x64xf32>
    %add3A_26 = arith.addf %add3A_22, %get3A_25 : vector<1000x64xf32>
    %mul3A = vector.broadcast %rsqrt3A : vector<1000x1xf32> to vector<1000x64xf32>
    %mul3A_27 = arith.mulf %add3A_26, %mul3A : vector<1000x64xf32>
    %get3A_28 = arith.constant 0 : index
    %get3A_29 = arith.constant 0 : index
    %get3A_30 = vector.load %arg4[%get3A_28, %get3A_29] : memref<1x64xf32, #tpu.memory_space<vmem>>, vector<1x64xf32>
    %add3A_31 = vector.broadcast %get3A_30 : vector<1x64xf32> to vector<1000x64xf32>
    %add3A_32 = arith.addf %mul3A_27, %add3A_31 : vector<1000x64xf32>
    %max3A = arith.constant 0.000000e+00 : f32
    %max3A_33 = vector.broadcast %max3A : f32 to vector<1000x64xf32>
    %max3A_34 = arith.maximumf %add3A_32, %max3A_33 : vector<1000x64xf32>
    %swap3A = arith.constant 0 : index
    %swap3A_35 = arith.constant 0 : index
    %swap3A_36 = vector.load %arg5[%swap3A, %swap3A_35] : memref<1000x64xf32, #tpu.memory_space<vmem>>, vector<1000x64xf32>
    tpu.vector_store %arg5[%swap3A, %swap3A_35], %max3A_34 {strides = array<i32>} : memref<1000x64xf32, #tpu.memory_space<vmem>>, vector<1000x64xf32>,
    return
  }
  func.func @transform_0(%arg0: i32) -> (i32, i32, i32) {
    %c0_i32 = arith.constant 0 : i32
    %c0_i32_0 = arith.constant 0 : i32
    %c0_i32_1 = arith.constant 0 : i32
    return %c0_i32, %arg0, %c0_i32_0 : i32, i32, i32
  }
  func.func @transform_1(%arg0: i32) -> (i32, i32) {
    %c0_i32 = arith.constant 0 : i32
    %c0_i32_0 = arith.constant 0 : i32
    return %arg0, %c0_i32 : i32, i32
  }
  func.func @transform_2(%arg0: i32) -> (i32, i32, i32) {
    %c0_i32 = arith.constant 0 : i32
    %c0_i32_0 = arith.constant 0 : i32
    %c0_i32_1 = arith.constant 0 : i32
    return %c0_i32, %arg0, %c0_i32_0 : i32, i32, i32
  }
  func.func @transform_3(%arg0: i32) -> (i32, i32) {
    %c0_i32 = arith.constant 0 : i32
    %c0_i32_0 = arith.constant 0 : i32
    %c0_i32_1 = arith.constant 0 : i32
    return %c0_i32, %c0_i32_0 : i32, i32
  }
  func.func @transform_4(%arg0: i32) -> (i32, i32) {
    %c0_i32 = arith.constant 0 : i32
    %c0_i32_0 = arith.constant 0 : i32
    return %arg0, %c0_i32 : i32, i32
  }
}

</mosaic_0001>

<sc_bundles>
// kernel: kernel.6.cloned.1.call-start
scs
__scs_entry_jumppad:
0x0: {  	(pc) =	sbr.rel $0x88, $3  }
0x1: {  	(tag) =	ssettag $0x0;
	lr =	simm.s32 $0x1  }
0x2: {  	[smem:$0x3F9D] =	sst lr;
	_ =	strace $0xD0000000  }
0x3: {  	_ = 	snop  }
0x4: {  	_ = 	snop  }
0x5: {  	_ = 	snop  }
0x6: {  	_ = 	snop  }
0x7: {  	_ = 	snop  }
__scs_overlays_trampoline_lowered:
0x8: {  	[smem:$0x3FAC] =	sst s0  }
0x9: {  	[smem:$0x3FAD] =	sst s1  }
0xa: {  	[smem:$0x3FAE] =	sst s2  }
0xb: {  	[smem:$0x3FAF] =	sst s3  }
0xc: {  	[smem:$0x3FB0] =	sst s4  }
0xd: {  	[smem:$0x3FB1] =	sst s5  }
0xe: {  	[smem:$0x3FB2] =	sst s6  }
0xf: {  	[smem:$0x3FB3] =	sst s7  }
0x10: {  	[smem:$0x3FB4] =	sst s8  }
0x11: {  	[smem:$0x3FB5] =	sst s9;
	s0 =	simm.s32 @!p0 $0x0  }
0x12: {  	s1 =	sld [smem:$0x3F9B];
	s0 =	simm.s32 @p0 $0x1  }
0x13: {  	[smem:$0x3FB6] =	sst s0;
	s0 =	simm.s32 @!p1 $0x0  }
0x14: {  	s2 =	sld [smem:$0x3F9A];
	s0 =	simm.s32 @p1 $0x1  }
0x15: {  	[smem:$0x3FB7] =	sst s0;
	s0 =	simm.s32 @!p2 $0x0  }
0x16: {  	s3 =	sld [smem:$0x3FDB];
	s0 =	simm.s32 @p2 $0x1  }
0x17: {  	s4 =	simm.s32 $0x1BF5;
	[smem:$0x3FB9] =	sst s0  }
0x18: {  	s0 =	sld [smem:$0x3F9C];
	_ =	swait.ge [sflag:s4], $0x0  }
0x19: {  	s7 =	sld [smem:$0x3F9D]  }
0x1a: {  	s8 =	sadd.s32 $0xFFFFE003, lr  }
0x1b: {  	s9 =	sadd.s32 $0xFFFFFEF7, lr;
	s5 =	simm.s32 $0xFFFFFFFF;
	p2 =	slt.u32 s8, $0xFFFFF086  }
0x1c: {  	p1 =	slt.u32 s9, $0xF7A;
	s5 =	simm.s32 @!p2 $0x0  }
0x1d: {  	s5 =	simm.s32 @p1 $0x1;
	p0 =	seq.s32 s7, s2  }
0x1e: {  	s7 =	smul.u32 @!p0 $0xF7A, s2;
	p2 =	seq.s32 @!p0 s5, $0x0  }
0x1f: {  	s9 =	smul.u32 $0xF7A, s1;
	s8 =	simm.s32 @!p0 $0x1BF5;
	p2 =	por !p2, p0  }
0x20: {  	[sflag:s8] =	ssyncset.s32 @!p0 $0xFFFFF086;
	s6 =	sadd.s32 @!p0 s3, s7;
	s7 =	simm.s32 @!p0 $0x108  }
0x21: {  	s3 =	sadd.s32 s3, s9;
	s6 =	sadd.s32 @!p0 $0x88, s6;
	s7 =	simm.s32 @p2 $0x1082  }
0x22: {  	[simem:s7], [sflag:s8] =	dma.local @!p0 [hbm:s6], $0xF7A  }
0x23: {  	s9 =	sor.u32 $0xD0000000, s2;
	s6 =	simm.s32 $0x108;
	_ =	swait.ge @!p0 [sflag:s8], $0x0  }
0x24: {  	s3 =	sadd.s32 $0x88, s3;
	s6 =	simm.s32 @!p1 $0x1082;
	[sflag:s4] =	ssyncset.s32 $0xFFFFF086  }
0x25: {  	[simem:s6], [sflag:s4] =	dma.local [hbm:s3], $0xF7A  }
0x26: {  	[smem:$0x3F9D] =	sst s1;
	(tag) =	ssettag s2;
	_ =	strace s9  }
0x27: {  	s1 =	sld [smem:$0x3FAD]  }
0x28: {  	s2 =	sld [smem:$0x3FAE]  }
0x29: {  	s4 =	sld [smem:$0x3FB0]  }
0x2a: {  	p0 =	seq.s32 s5, $0x0;
	s5 =	sld [smem:$0x3FB1]  }
0x2b: {  	s6 =	sld [smem:$0x3FB2]  }
0x2c: {  	s7 =	sld [smem:$0x3FB3]  }
0x2d: {  	s3 =	simm.s32 $0x108;
	s8 =	sld [smem:$0x3FB4]  }
0x2e: {  	s3 =	simm.s32 @!p0 $0x1082;
	s9 =	sld [smem:$0x3FB5]  }
0x2f: {  	lr =	sadd.s32 s0, s3;
	s0 =	sld [smem:$0x3FAC]  }
0x30: {  	s3 =	sld [smem:$0x3FAF]  }
0x31: {  	[smem:$0x3FB8] =	sst s10  }
0x32: {  	s10 =	sld [smem:$0x3FB6];
	_ =	sdelay $0x3  }
0x33: {  	p0 =	seq.s32 s10, $0x1;
	s10 =	sld [smem:$0x3FB8];
	_ =	sdelay $0x3  }
0x34: {  	[smem:$0x3FB8] =	sst s10  }
0x35: {  	s10 =	sld [smem:$0x3FB7];
	_ =	sdelay $0x3  }
0x36: {  	p1 =	seq.s32 s10, $0x1;
	s10 =	sld [smem:$0x3FB8];
	_ =	sdelay $0x3  }
0x37: {  	[smem:$0x3FB8] =	sst s10  }
0x38: {  	s10 =	sld [smem:$0x3FB9]  }
0x39: {  	_ = 	snop;
	(pc) =	sbr.ind lr, $3  }
0x3a: {  	_ = 	snop  }
0x3b: {  	_ = 	snop  }
0x3c: {  	p2 =	seq.s32 s10, $0x1;
	s10 =	sld [smem:$0x3FB8]  }
0x3d: {  	_ =	shalt  }
0x3e: {  	_ =	shalt  }
0x3f: {  	_ =	shalt  }
0x40: {  	_ =	shalt  }
0x41: {  	_ =	shalt  }
0x42: {  	_ =	shalt  }
0x43: {  	_ =	shalt  }
0x44: {  	_ =	shalt  }
0x45: {  	_ =	shalt  }
0x46: {  	_ =	shalt  }
0x47: {  	_ =	shalt  }
0x48: {  	_ =	shalt  }
0x49: {  	_ =	shalt  }
0x4a: {  	_ =	shalt  }
0x4b: {  	_ =	shalt  }
0x4c: {  	_ =	shalt  }
0x4d: {  	_ =	shalt  }
0x4e: {  	_ =	shalt  }
0x4f: {  	_ =	shalt  }
0x50: {  	_ =	shalt  }
0x51: {  	_ =	shalt  }
0x52: {  	_ =	shalt  }
0x53: {  	_ =	shalt  }
0x54: {  	_ =	shalt  }
0x55: {  	_ =	shalt  }
0x56: {  	_ =	shalt  }
0x57: {  	_ =	shalt  }
0x58: {  	_ =	shalt  }
0x59: {  	_ =	shalt  }
0x5a: {  	_ =	shalt  }
0x5b: {  	_ =	shalt  }
0x5c: {  	_ =	shalt  }
0x5d: {  	_ =	shalt  }
0x5e: {  	_ =	shalt  }
0x5f: {  	_ =	shalt  }
0x60: {  	_ =	shalt  }
0x61: {  	_ =	shalt  }
0x62: {  	_ =	shalt  }
0x63: {  	_ =	shalt  }
0x64: {  	_ =	shalt  }
0x65: {  	_ =	shalt  }
0x66: {  	_ =	shalt  }
0x67: {  	_ =	shalt  }
0x68: {  	_ =	shalt  }
0x69: {  	_ =	shalt  }
0x6a: {  	_ =	shalt  }
0x6b: {  	_ =	shalt  }
0x6c: {  	_ =	shalt  }
0x6d: {  	_ =	shalt  }
0x6e: {  	_ =	shalt  }
0x6f: {  	_ =	shalt  }
0x70: {  	_ =	shalt  }
0x71: {  	_ =	shalt  }
0x72: {  	_ =	shalt  }
0x73: {  	_ =	shalt  }
0x74: {  	_ =	shalt  }
0x75: {  	_ =	shalt  }
0x76: {  	_ =	shalt  }
0x77: {  	_ =	shalt  }
0x78: {  	_ =	shalt  }
0x79: {  	_ =	shalt  }
0x7a: {  	_ =	shalt  }
0x7b: {  	_ =	shalt  }
0x7c: {  	_ =	shalt  }
0x7d: {  	_ =	shalt  }
0x7e: {  	_ =	shalt  }
0x7f: {  	_ =	shalt  }
0x80: {  	_ =	shalt  }
0x81: {  	_ =	shalt  }
0x82: {  	_ =	shalt  }
0x83: {  	_ =	shalt  }
0x84: {  	_ =	shalt  }
0x85: {  	_ =	shalt  }
0x86: {  	_ =	shalt  }
0x87: {  	_ =	shalt  }
.Lfunc_end0:
.L_simem_size_0:
called_computation_lowered:
.L_overlay_start_0:
0x88: {  	s2 =	sld [smem:$0x3FD9]  }
0x89: {  	s3 =	sld [smem:$0x3FFE];
	_ =	sdelay $0x1  }
0x8a: {  	s1 =	srdreg.scid  }
0x8b: {  	s0 =	sand.u32 $0x1, s1  }
0x8c: {  	s17 =	sshll.u32 s0, $0xA;
	s2 =	sadd.s32 s3, s2  }
0x8d: {  	s2 =	sadd.s32 s2, s17  }
0x8e: {  	[smem:$0x3FC4] =	sst s2  }
0x8f: {  	_ = 	snop  }
0x90: {  	s2 =	sld [smem:$0x3FD0];
	(tm) =	ssettm $0x1  }
0x91: {  	s18 =	sld [smem:$0x3FFB];
	_ =	sdelay $0x3  }
0x92: {  	_ =	strace s18  }
0x93: {  	s3 =	sld [smem:$0x3FFC];
	_ =	sdelay $0x3  }
0x94: {  	_ =	strace s3  }
0x95: {  	s3 =	sld [smem:$0x3FFD];
	_ =	sdelay $0x3  }
0x96: {  	_ =	strace s3  }
0x97: {  	_ =	strace $0x8FFFFFFF  }
0x98: {  	s19 =	sld [smem:$0x3FDB];
	_ =	sdelay $0x1  }
0x99: {  	s4 =	simm.s32 $_scs_section_size  }
0x9a: {  	s5 =	simm.s32 $_size__tile_overlayer_lowered;
	s6 =	simm.s32 $_tile_overlayer_lowered  }
0x9b: {  	s22 =	simm.s32 $0x1BFF;
	s21 =	sshll.u32 s6, $0x1;
	s3 =	sadd.s32 s4, s19  }
0x9c: {  	s7 =	simm.s32 $0x0;
	s20 =	sshll.u32 s5, $0x1;
	s5 =	sadd.s32 s21, s3  }
0x9d: {  	[timem:s7], [sflag:s22] =	dma.local [hbm:s5], s20  }
0x9e: {  	_ =	swait.ge [sflag:s22], s20  }
0x9f: {  	s4 =	ssub.s32 $0x0, s20;
	[sflag:s22] =	ssyncset.done $0x0  }
0xa0: {  	[sflag:s22] =	ssyncadd.s32 s4;
	_ =	sdelay $0x1  }
0xa1: {  	s23 =	simm.s32 $0x1B8B  }
0xa2: {  	_ =	swait.ge [sflag:s23], $0x1  }
0xa3: {  	[sflag:s23] =	ssyncset.done $0x0  }
0xa4: {  	s25 =	simm.s32 $0x1B8E;
	s24 =	sld [smem:$0x3FFE];
	[sflag:s23] =	ssyncadd.s32 $0xFFFFFFFF  }
0xa5: {  	s26 =	simm.s32 $execute0_lowered;
	[smem:$0x3FD2] =	sst s25  }
0xa6: {  	s5 =	sshll.u32 s26, $0x1;
	_ =	strace $0x80000046;
	[dreg:$0x1] =	wrdreg $0xFFFFFFFF  }
0xa7: {  	s28 =	simm.s32 $_size_execute0_lowered;
	s3 =	sadd.s32 s3, s5;
	[dreg:$0x0] =	wrdreg $0x0  }
0xa8: {  	s5 =	sshll.u32 s28, $0x1;
	[dreg:$0x2] =	wrdreg s3  }
0xa9: {  	[dreg:$0x3] =	wrdreg s5  }
0xaa: {  	[dreg:$0x4] =	wrdreg $0xC0  }
0xab: {  	_ =	task [dreg:s7], $0x5FFFF  }
0xac: {  	[dreg:$0x1] =	wrdreg $0xFFFFFFFF  }
0xad: {  	[dreg:$0x0] =	wrdreg $0x60  }
0xae: {  	[dreg:$0x2] =	wrdreg s24  }
0xaf: {  	[dreg:$0x3] =	wrdreg s2  }
0xb0: {  	[dreg:$0x4] =	wrdreg $0x30000  }
0xb1: {  	[dreg:$0x5] =	wrdreg $0x9  }
0xb2: {  	_ =	task.clear_ibuf [dreg:s7], $0x6FFFF;
	_ =	strace $0x90000046  }
0xb3: {  	s29 =	simm.s32 $0x9;
	_ =	strace $0x80000048  }
0xb4: {  	_ =	swait.ge [sflag:s29], $0x1  }
0xb5: {  	[sflag:s29] =	ssyncadd.s32 $0xFFFFFFFF  }
0xb6: {  	_ =	strace $0x90000048  }
0xb7: {  	_ =	sfence  }
0xb8: {  	s30 =	sld [smem:$0x0];
	_ =	sdelay $0x2  }
0xb9: {  	s31 =	sshll.u32 s1, $0xD;
	s1 =	sshrl.u32 s1, $0x2  }
0xba: {  	s3 =	sand.u32 $0x4000, s31;
	s1 =	sadd.s32 s1, s30  }
0xbb: {  	s0 =	sor.u32 s3, s0;
	s1 =	sshll.u32 s1, $0x11  }
0xbc: {  	s0 =	sor.u32 s1, s0  }
0xbd: {  	s0 =	sadd.s32 $0x8F2B, s0  }
0xbe: {  	[sflag:s0] =	ssyncadd.remote.s32 $0x1  }
0xbf: {  	_ =	sfence.sel $0xFFFF  }
0xc0: {  	[dreg:$0x0] =	wrdreg $0xFFFFFFFF;
	(pc) =	sbr.abs _section_cstart, $3  }
0xc1: {  	[dreg:$0x1] =	wrdreg $0xFFFFFFFF  }
0xc2: {  	_ =	task.clear_ibuf [dreg:s7], $0x2FFFF;
	_ =	strace $0x9FFFFFFF  }
0xc3: {  	(tm) =	ssettm $0x7FFFFFFF  }
tec
execute0_lowered:
.L_overlay_start_1:
0x0: {  	(tag) =	ssettag $0x1  }
0x1: {  	s5 =	rddreg [dreg:$0x0];
	s1 =	srdreg.scid  }
0x2: {  	s0 =	stileid.u32;
	s7 =	rddreg [dreg:$0x1]  }
0x3: {  	s2 =	rddreg [dreg:$0x2];
	s3 =	simm.s32 $0x0;
	s4 =	smul.u32 $0x4F00, s0  }
0x4: {  	s6 =	sand.u32 $0x1, s1;
	s1 =	rddreg [dreg:$0x3];
	s30 =	smul.u32 $0x2780, s0  }
0x5: {  	s15 =	simm.s32 $0x0;
	[smem:$0x7FF] =	sst s3;
	s8 =	smul.u32 $0x2780, s6  }
0x6: {  	s13 =	sshll.u32 s0, $0x6;
	_ =	strace $0x80000047;
	s9 =	smul.u32 $0x27800, s6  }
0x7: {  	s6 =	ssub.s32 $0x2, s6;
	s13 =	sor.u32 $0x1C01, s13;
	s11 =	sshrl.u32 s30, $0x3  }
0x8: {  	s12 =	sshrl.u32 s6, $0x1;
	s4 =	sadd.s32 s8, s4;
	s9 =	sadd.s32 s30, s9  }
0x9: {  	s31 =	ssub.s32 s6, s12;
	s6 =	sadd.s32 s30, s2;
	s12 =	simm.s32 $0x80  }
0xa: {  	s4 =	sshrl.u32 s4, $0x3;
	s9 =	sshrl.u32 s9, $0x3;
	s8 =	smax.u32 s31, $0x1  }
0xb: {  	s14 =	sshrl.u32 s6, $0x3;
	s10 =	sadd.s32 s4, s5;
	s4 =	sadd.s32 $0xB600, s5  }
0xc: {  	s5 =	sadd.s32 s11, s5;
	s7 =	sadd.s32 s7, s9;
	s11 =	simm.s32 $0x1  }
0xd: {  	s5 =	sadd.s32 $0xB800, s5;
	s9 =	sadd.s32 $0x1800, s10;
	s10 =	simm.s32 $0x880  }
.LBB2_1:
0xe: {  	[tilespmem:s10], [sflag:$0x1] =	stream.linear.gather [hbm4b:s5+s3], $0x2780, $0x38;
	[tilespmem:$0x5780] =	vst v63  }
0xf: {  	_ =	swait.ge [sflag:s11], $0x2780  }
0x10: {  	[sflag:s11] =	ssyncset.done $0x0  }
0x11: {  	[sflag:s11] =	ssyncadd.s32 $0xFFFFD880  }
0x12: {  	[spmem:s6] =	stream.linear.scatter [tilespmem:s10], [sflag:$0x1], $0x2780, $0x38;
	[tilespmem:$0x5780] =	vst v63  }
0x13: {  	_ =	swait.ge [sflag:s11], $0x2780  }
0x14: {  	[sflag:s11] =	ssyncset.done $0x0  }
0x15: {  	[sflag:s11] =	ssyncadd.s32 $0xFFFFD880  }
0x16: {  	[tilespmem:s12], [sflag:$0x1] =	stream.linear.gather [hbm4b:s4+s3], $0x800, $0x38;
	[tilespmem:$0x5780] =	vst v63  }
0x17: {  	_ =	swait.ge [sflag:s11], $0x800  }
0x18: {  	[sflag:s11] =	ssyncset.done $0x0  }
0x19: {  	[sflag:s11] =	ssyncadd.s32 $0xFFFFF800  }
0x1a: {  	s16 =	sadd.s32 $0x0, s9;
	[bflag:$0x0] =	sbarrier.arrive $0xFFFF  }
0x1b: {  	[tilespmem:s3], [sflag:$0x1] =	stream.linear.gather [hbm4b:s16+s3], $0x80, $0x38;
	[tilespmem:$0x5780] =	vst v63  }
0x1c: {  	_ =	swait.ge [sflag:s11], $0x80  }
0x1d: {  	[sflag:s11] =	ssyncset.done $0x0  }
0x1e: {  	[sflag:s11] =	ssyncadd.s32 $0xFFFFFF80  }
0x1f: {  	[spmem:s2] =	stream.indirect.scatter.add.f32 [tilespmem:s12], [sflag:$0x1], $0x10, s3, s12, $0xb8;
	[tilespmem:$0x5780] =	vst v63  }
0x20: {  	_ =	swait.ge [sflag:s11], $0x800  }
0x21: {  	s17 =	simm.s32 $0x20;
	s16 =	simm.s32 $0x10;
	[sflag:s11] =	ssyncset.done $0x0  }
.LBB2_2:
0x22: {  	s18 =	sadd.s32 s16, s9  }
0x23: {  	[sflag:s11] =	ssyncadd.s32 $0xFFFFF800;
	s16 =	smov.u32 s17;
	s19 =	sadd.s32 $0x10, s17  }
0x24: {  	[tilespmem:s3], [sflag:$0x1] =	stream.linear.gather [hbm4b:s18+s3], $0x80, $0x38;
	[tilespmem:$0x5780] =	vst v63  }
0x25: {  	p0 =	sne.s32 s17, $0x4E0;
	_ =	swait.ge [sflag:s11], $0x80  }
.Ltmp0:
0x26: {  	[sflag:s11] =	ssyncset.done $0x0;
	(pc) =	sbr.rel @p0 .LBB2_2-.Ltmp0, $4  }
0x27: {  	[sflag:s11] =	ssyncadd.s32 $0xFFFFFF80  }
0x28: {  	[spmem:s2] =	stream.indirect.scatter.add.f32 [tilespmem:s12], [sflag:$0x1], $0x10, s3, s12, $0xb8;
	[tilespmem:$0x5780] =	vst v63  }
0x29: {  	_ =	swait.ge [sflag:s11], $0x800  }
0x2a: {  	s17 =	smov.u32 s19;
	[sflag:s11] =	ssyncset.done $0x0  }
0x2b: {  	s16 =	sadd.s32 s16, s9;
	[sflag:s11] =	ssyncadd.s32 $0xFFFFF800  }
0x2c: {  	[tilespmem:s3], [sflag:$0x1] =	stream.linear.gather [hbm4b:s16+s3], $0x80, $0x38;
	[tilespmem:$0x5780] =	vst v63  }
0x2d: {  	_ =	swait.ge [sflag:s11], $0x80  }
0x2e: {  	[sflag:s11] =	ssyncset.done $0x0  }
0x2f: {  	[sflag:s11] =	ssyncadd.s32 $0xFFFFFF80  }
0x30: {  	[spmem:s2] =	stream.indirect.scatter.add.f32 [tilespmem:s12], [sflag:$0x1], $0x10, s3, s12, $0xb8;
	[tilespmem:$0x5780] =	vst v63  }
0x31: {  	_ =	swait.ge [sflag:s11], $0x800  }
0x32: {  	s15 =	sadd.s32 $0x1, s15;
	[sflag:s11] =	ssyncset.done $0x0  }
0x33: {  	p0 =	sne.s32 s15, s8;
	[sflag:s11] =	ssyncadd.s32 $0xFFFFF800  }
.Ltmp1:
0x34: {  	[bflag:$0x0] =	sbarrier.arrive $0xFFFF;
	(pc) =	sbr.rel @p0 .LBB2_1-.Ltmp1, $4  }
0x35: {  	[hbm:s7], [sflag:s13] =	dma.local [spmem:s14], $0x4F0  }
0x36: {  	_ =	swait.ge [sflag:s11], $0x4F0  }
0x37: {  	[sflag:s11] =	ssyncset.done $0x0  }
0x38: {  	[sflag:s11] =	ssyncadd.s32 $0xFFFFFB10  }
0x39: {  	_ =	sfence.sel $0x180000  }
0x3a: {  	[bflag:$0x0] =	sbarrier.arrive $0xFFFF  }
0x3b: {  	p0 =	sne.s32 s0, $0x0;
	_ =	strace $0x90000047  }
0x3c: {  	s0 =	sadd.s32 @!p0 $0x100000, s1;
	[bflag:$0x2] =	sbarrier.arrive $0xFFFF  }
0x3d: {  	[sflag:s0] =	ssyncadd.tile.s32 @!p0 $0x1;
	_ =	shalt  }
.Lfunc_end2:
_tile_overlayer_lowered:
.L_overlay_start_2:
0x3e: {  	(tag) =	ssettag $0x2  }
0x3f: {  	s0 =	rddreg [dreg:$0x0];
	s2 =	stileid.u32  }
0x40: {  	s1 =	rddreg [dreg:$0x1];
	p0 =	sne.s32 s2, $0x0  }
0x41: {  	s3 =	rddreg [dreg:$0x2];
	[bflag:$0x3] =	sbarrier.arrive $0xFFFF;
	s2 =	simm.s32 @!p0 $0x1C01  }
0x42: {  	[timem:s3], [sflag:s2] =	dma.local @!p0 [hbm:s0], s1  }
0x43: {  	s0 =	simm.s32 @!p0 $0x1  }
0x44: {  	_ =	swait.ge @!p0 [sflag:s0], s1  }
0x45: {  	s1 =	ssub.s32 @!p0 $0x0, s1;
	[sflag:s0] =	ssyncset.done @!p0 $0x0  }
0x46: {  	[sflag:s0] =	ssyncadd.s32 @!p0 s1  }
0x47: {  	[bflag:$0x3] =	sbarrier.arrive $0xFFFF  }
0x48: {  	_ =	shalt  }

// kernel: kernel.9.cloned.1.call-start
scs
__scs_entry_jumppad:
0x0: {  	(pc) =	sbr.rel $0x88, $3  }
0x1: {  	(tag) =	ssettag $0x0;
	lr =	simm.s32 $0x1  }
0x2: {  	[smem:$0x3F9D] =	sst lr;
	_ =	strace $0xD0000000  }
0x3: {  	_ = 	snop  }
0x4: {  	_ = 	snop  }
0x5: {  	_ = 	snop  }
0x6: {  	_ = 	snop  }
0x7: {  	_ = 	snop  }
__scs_overlays_trampoline_lowered:
0x8: {  	[smem:$0x3FAC] =	sst s0  }
0x9: {  	[smem:$0x3FAD] =	sst s1  }
0xa: {  	[smem:$0x3FAE] =	sst s2  }
0xb: {  	[smem:$0x3FAF] =	sst s3  }
0xc: {  	[smem:$0x3FB0] =	sst s4  }
0xd: {  	[smem:$0x3FB1] =	sst s5  }
0xe: {  	[smem:$0x3FB2] =	sst s6  }
0xf: {  	[smem:$0x3FB3] =	sst s7  }
0x10: {  	[smem:$0x3FB4] =	sst s8  }
0x11: {  	[smem:$0x3FB5] =	sst s9;
	s0 =	simm.s32 @!p0 $0x0  }
0x12: {  	s1 =	sld [smem:$0x3F9B];
	s0 =	simm.s32 @p0 $0x1  }
0x13: {  	[smem:$0x3FB6] =	sst s0;
	s0 =	simm.s32 @!p1 $0x0  }
0x14: {  	s2 =	sld [smem:$0x3F9A];
	s0 =	simm.s32 @p1 $0x1  }
0x15: {  	[smem:$0x3FB7] =	sst s0;
	s0 =	simm.s32 @!p2 $0x0  }
0x16: {  	s3 =	sld [smem:$0x3FDB];
	s0 =	simm.s32 @p2 $0x1  }
0x17: {  	s4 =	simm.s32 $0x1BF5;
	[smem:$0x3FB9] =	sst s0  }
0x18: {  	s0 =	sld [smem:$0x3F9C];
	_ =	swait.ge [sflag:s4], $0x0  }
0x19: {  	s7 =	sld [smem:$0x3F9D]  }
0x1a: {  	s8 =	sadd.s32 $0xFFFFE003, lr  }
0x1b: {  	s9 =	sadd.s32 $0xFFFFFEF7, lr;
	s5 =	simm.s32 $0xFFFFFFFF;
	p2 =	slt.u32 s8, $0xFFFFF086  }
0x1c: {  	p1 =	slt.u32 s9, $0xF7A;
	s5 =	simm.s32 @!p2 $0x0  }
0x1d: {  	s5 =	simm.s32 @p1 $0x1;
	p0 =	seq.s32 s7, s2  }
0x1e: {  	s7 =	smul.u32 @!p0 $0xF7A, s2;
	p2 =	seq.s32 @!p0 s5, $0x0  }
0x1f: {  	s9 =	smul.u32 $0xF7A, s1;
	s8 =	simm.s32 @!p0 $0x1BF5;
	p2 =	por !p2, p0  }
0x20: {  	[sflag:s8] =	ssyncset.s32 @!p0 $0xFFFFF086;
	s6 =	sadd.s32 @!p0 s3, s7;
	s7 =	simm.s32 @!p0 $0x108  }
0x21: {  	s3 =	sadd.s32 s3, s9;
	s6 =	sadd.s32 @!p0 $0x88, s6;
	s7 =	simm.s32 @p2 $0x1082  }
0x22: {  	[simem:s7], [sflag:s8] =	dma.local @!p0 [hbm:s6], $0xF7A  }
0x23: {  	s9 =	sor.u32 $0xD0000000, s2;
	s6 =	simm.s32 $0x108;
	_ =	swait.ge @!p0 [sflag:s8], $0x0  }
0x24: {  	s3 =	sadd.s32 $0x88, s3;
	s6 =	simm.s32 @!p1 $0x1082;
	[sflag:s4] =	ssyncset.s32 $0xFFFFF086  }
0x25: {  	[simem:s6], [sflag:s4] =	dma.local [hbm:s3], $0xF7A  }
0x26: {  	[smem:$0x3F9D] =	sst s1;
	(tag) =	ssettag s2;
	_ =	strace s9  }
0x27: {  	s1 =	sld [smem:$0x3FAD]  }
0x28: {  	s2 =	sld [smem:$0x3FAE]  }
0x29: {  	s4 =	sld [smem:$0x3FB0]  }
0x2a: {  	p0 =	seq.s32 s5, $0x0;
	s5 =	sld [smem:$0x3FB1]  }
0x2b: {  	s6 =	sld [smem:$0x3FB2]  }
0x2c: {  	s7 =	sld [smem:$0x3FB3]  }
0x2d: {  	s3 =	simm.s32 $0x108;
	s8 =	sld [smem:$0x3FB4]  }
0x2e: {  	s3 =	simm.s32 @!p0 $0x1082;
	s9 =	sld [smem:$0x3FB5]  }
0x2f: {  	lr =	sadd.s32 s0, s3;
	s0 =	sld [smem:$0x3FAC]  }
0x30: {  	s3 =	sld [smem:$0x3FAF]  }
0x31: {  	[smem:$0x3FB8] =	sst s10  }
0x32: {  	s10 =	sld [smem:$0x3FB6];
	_ =	sdelay $0x3  }
0x33: {  	p0 =	seq.s32 s10, $0x1;
	s10 =	sld [smem:$0x3FB8];
	_ =	sdelay $0x3  }
0x34: {  	[smem:$0x3FB8] =	sst s10  }
0x35: {  	s10 =	sld [smem:$0x3FB7];
	_ =	sdelay $0x3  }
0x36: {  	p1 =	seq.s32 s10, $0x1;
	s10 =	sld [smem:$0x3FB8];
	_ =	sdelay $0x3  }
0x37: {  	[smem:$0x3FB8] =	sst s10  }
0x38: {  	s10 =	sld [smem:$0x3FB9]  }
0x39: {  	_ = 	snop;
	(pc) =	sbr.ind lr, $3  }
0x3a: {  	_ = 	snop  }
0x3b: {  	_ = 	snop  }
0x3c: {  	p2 =	seq.s32 s10, $0x1;
	s10 =	sld [smem:$0x3FB8]  }
0x3d: {  	_ =	shalt  }
0x3e: {  	_ =	shalt  }
0x3f: {  	_ =	shalt  }
0x40: {  	_ =	shalt  }
0x41: {  	_ =	shalt  }
0x42: {  	_ =	shalt  }
0x43: {  	_ =	shalt  }
0x44: {  	_ =	shalt  }
0x45: {  	_ =	shalt  }
0x46: {  	_ =	shalt  }
0x47: {  	_ =	shalt  }
0x48: {  	_ =	shalt  }
0x49: {  	_ =	shalt  }
0x4a: {  	_ =	shalt  }
0x4b: {  	_ =	shalt  }
0x4c: {  	_ =	shalt  }
0x4d: {  	_ =	shalt  }
0x4e: {  	_ =	shalt  }
0x4f: {  	_ =	shalt  }
0x50: {  	_ =	shalt  }
0x51: {  	_ =	shalt  }
0x52: {  	_ =	shalt  }
0x53: {  	_ =	shalt  }
0x54: {  	_ =	shalt  }
0x55: {  	_ =	shalt  }
0x56: {  	_ =	shalt  }
0x57: {  	_ =	shalt  }
0x58: {  	_ =	shalt  }
0x59: {  	_ =	shalt  }
0x5a: {  	_ =	shalt  }
0x5b: {  	_ =	shalt  }
0x5c: {  	_ =	shalt  }
0x5d: {  	_ =	shalt  }
0x5e: {  	_ =	shalt  }
0x5f: {  	_ =	shalt  }
0x60: {  	_ =	shalt  }
0x61: {  	_ =	shalt  }
0x62: {  	_ =	shalt  }
0x63: {  	_ =	shalt  }
0x64: {  	_ =	shalt  }
0x65: {  	_ =	shalt  }
0x66: {  	_ =	shalt  }
0x67: {  	_ =	shalt  }
0x68: {  	_ =	shalt  }
0x69: {  	_ =	shalt  }
0x6a: {  	_ =	shalt  }
0x6b: {  	_ =	shalt  }
0x6c: {  	_ =	shalt  }
0x6d: {  	_ =	shalt  }
0x6e: {  	_ =	shalt  }
0x6f: {  	_ =	shalt  }
0x70: {  	_ =	shalt  }
0x71: {  	_ =	shalt  }
0x72: {  	_ =	shalt  }
0x73: {  	_ =	shalt  }
0x74: {  	_ =	shalt  }
0x75: {  	_ =	shalt  }
0x76: {  	_ =	shalt  }
0x77: {  	_ =	shalt  }
0x78: {  	_ =	shalt  }
0x79: {  	_ =	shalt  }
0x7a: {  	_ =	shalt  }
0x7b: {  	_ =	shalt  }
0x7c: {  	_ =	shalt  }
0x7d: {  	_ =	shalt  }
0x7e: {  	_ =	shalt  }
0x7f: {  	_ =	shalt  }
0x80: {  	_ =	shalt  }
0x81: {  	_ =	shalt  }
0x82: {  	_ =	shalt  }
0x83: {  	_ =	shalt  }
0x84: {  	_ =	shalt  }
0x85: {  	_ =	shalt  }
0x86: {  	_ =	shalt  }
0x87: {  	_ =	shalt  }
.Lfunc_end0:
.L_simem_size_0:
called_computation.1_lowered:
.L_overlay_start_0:
0x88: {  	s2 =	sld [smem:$0x3FD9]  }
0x89: {  	s3 =	sld [smem:$0x3FFE];
	_ =	sdelay $0x1  }
0x8a: {  	s1 =	srdreg.scid  }
0x8b: {  	s0 =	sand.u32 $0x1, s1  }
0x8c: {  	s17 =	sshll.u32 s0, $0xA;
	s2 =	sadd.s32 s3, s2  }
0x8d: {  	s2 =	sadd.s32 s2, s17  }
0x8e: {  	[smem:$0x3FC4] =	sst s2  }
0x8f: {  	_ = 	snop  }
0x90: {  	s2 =	sld [smem:$0x3FD0];
	(tm) =	ssettm $0x1  }
0x91: {  	s18 =	sld [smem:$0x3FFB];
	_ =	sdelay $0x3  }
0x92: {  	_ =	strace s18  }
0x93: {  	s3 =	sld [smem:$0x3FFC];
	_ =	sdelay $0x3  }
0x94: {  	_ =	strace s3  }
0x95: {  	s3 =	sld [smem:$0x3FFD];
	_ =	sdelay $0x3  }
0x96: {  	_ =	strace s3  }
0x97: {  	_ =	strace $0x8FFFFFFF  }
0x98: {  	s19 =	sld [smem:$0x3FDB];
	_ =	sdelay $0x1  }
0x99: {  	s4 =	simm.s32 $_scs_section_size  }
0x9a: {  	s5 =	simm.s32 $_size__tile_overlayer_lowered;
	s6 =	simm.s32 $_tile_overlayer_lowered  }
0x9b: {  	s22 =	simm.s32 $0x1BFF;
	s21 =	sshll.u32 s6, $0x1;
	s3 =	sadd.s32 s4, s19  }
0x9c: {  	s7 =	simm.s32 $0x0;
	s20 =	sshll.u32 s5, $0x1;
	s5 =	sadd.s32 s21, s3  }
0x9d: {  	[timem:s7], [sflag:s22] =	dma.local [hbm:s5], s20  }
0x9e: {  	_ =	swait.ge [sflag:s22], s20  }
0x9f: {  	s4 =	ssub.s32 $0x0, s20;
	[sflag:s22] =	ssyncset.done $0x0  }
0xa0: {  	[sflag:s22] =	ssyncadd.s32 s4;
	_ =	sdelay $0x1  }
0xa1: {  	s23 =	simm.s32 $0x1B8B  }
0xa2: {  	_ =	swait.ge [sflag:s23], $0x1  }
0xa3: {  	[sflag:s23] =	ssyncset.done $0x0  }
0xa4: {  	s25 =	simm.s32 $0x1B8E;
	s24 =	sld [smem:$0x3FFE];
	[sflag:s23] =	ssyncadd.s32 $0xFFFFFFFF  }
0xa5: {  	s26 =	simm.s32 $execute0_lowered;
	[smem:$0x3FD2] =	sst s25  }
0xa6: {  	s5 =	sshll.u32 s26, $0x1;
	_ =	strace $0x80000049;
	[dreg:$0x1] =	wrdreg $0xFFFFFFFF  }
0xa7: {  	s28 =	simm.s32 $_size_execute0_lowered;
	s3 =	sadd.s32 s3, s5;
	[dreg:$0x0] =	wrdreg $0x0  }
0xa8: {  	s5 =	sshll.u32 s28, $0x1;
	[dreg:$0x2] =	wrdreg s3  }
0xa9: {  	[dreg:$0x3] =	wrdreg s5  }
0xaa: {  	[dreg:$0x4] =	wrdreg $0xC0  }
0xab: {  	_ =	task [dreg:s7], $0x5FFFF  }
0xac: {  	[dreg:$0x1] =	wrdreg $0xFFFFFFFF  }
0xad: {  	[dreg:$0x0] =	wrdreg $0x60  }
0xae: {  	[dreg:$0x2] =	wrdreg s24  }
0xaf: {  	[dreg:$0x3] =	wrdreg s2  }
0xb0: {  	[dreg:$0x4] =	wrdreg $0xBF000  }
0xb1: {  	[dreg:$0x5] =	wrdreg $0x9  }
0xb2: {  	_ =	task.clear_ibuf [dreg:s7], $0x6FFFF;
	_ =	strace $0x90000049  }
0xb3: {  	s29 =	simm.s32 $0x9;
	_ =	strace $0x8000004B  }
0xb4: {  	_ =	swait.ge [sflag:s29], $0x1  }
0xb5: {  	[sflag:s29] =	ssyncadd.s32 $0xFFFFFFFF  }
0xb6: {  	_ =	strace $0x9000004B  }
0xb7: {  	_ =	sfence  }
0xb8: {  	s30 =	sld [smem:$0x0];
	_ =	sdelay $0x2  }
0xb9: {  	s31 =	sshll.u32 s1, $0xD;
	s1 =	sshrl.u32 s1, $0x2  }
0xba: {  	s3 =	sand.u32 $0x4000, s31;
	s1 =	sadd.s32 s1, s30  }
0xbb: {  	s0 =	sor.u32 s3, s0;
	s1 =	sshll.u32 s1, $0x11  }
0xbc: {  	s0 =	sor.u32 s1, s0  }
0xbd: {  	s0 =	sadd.s32 $0x8F2B, s0  }
0xbe: {  	[sflag:s0] =	ssyncadd.remote.s32 $0x1  }
0xbf: {  	_ =	sfence.sel $0xFFFF  }
0xc0: {  	[dreg:$0x0] =	wrdreg $0xFFFFFFFF;
	(pc) =	sbr.abs _section_cstart, $3  }
0xc1: {  	[dreg:$0x1] =	wrdreg $0xFFFFFFFF  }
0xc2: {  	_ =	task.clear_ibuf [dreg:s7], $0x2FFFF;
	_ =	strace $0x9FFFFFFF  }
0xc3: {  	(tm) =	ssettm $0x7FFFFFFF  }
tec
execute0_lowered:
.L_overlay_start_1:
0x0: {  	(tag) =	ssettag $0x1  }
0x1: {  	s5 =	rddreg [dreg:$0x0]  }
0x2: {  	s1 =	srdreg.scid;
	s6 =	rddreg [dreg:$0x1]  }
0x3: {  	s0 =	stileid.u32;
	s2 =	rddreg [dreg:$0x2];
	s3 =	simm.s32 $0x0  }
0x4: {  	s13 =	simm.s32 $0x80;
	s14 =	simm.s32 $0x100;
	s4 =	smul.u32 $0x4F00, s0  }
0x5: {  	s7 =	sand.u32 $0x1, s1;
	s1 =	rddreg [dreg:$0x3];
	s9 =	smul.u32 $0x9E00, s0  }
0x6: {  	s17 =	simm.s32 $0x0;
	[smem:$0x7FF] =	sst s3;
	s8 =	smul.u32 $0x2780, s7  }
0x7: {  	s15 =	sshll.u32 s0, $0x6;
	s10 =	smul.u32 $0x9E000, s7;
	s7 =	ssub.s32 $0x2, s7  }
0x8: {  	_ =	strace $0x8000004A;
	s15 =	sor.u32 $0x1C01, s15;
	s30 =	sshrl.u32 s7, $0x1  }
0x9: {  	s31 =	sshrl.u32 s9, $0x3;
	s8 =	sadd.s32 s8, s4;
	s10 =	sadd.s32 s9, s10  }
0xa: {  	s4 =	sadd.s32 $0x90800, s5;
	s8 =	sshrl.u32 s8, $0x3;
	s29 =	sshrl.u32 s10, $0x3  }
0xb: {  	s12 =	ssub.s32 s7, s30;
	s11 =	sadd.s32 s8, s5;
	s8 =	sadd.s32 s29, s5  }
0xc: {  	s5 =	sadd.s32 s6, s31;
	s6 =	sadd.s32 s9, s2;
	s7 =	sadd.s32 $0xA4200, s8  }
0xd: {  	s8 =	smax.u32 s12, $0x1;
	s9 =	sadd.s32 $0x1800, s11;
	s10 =	sadd.s32 $0x10800, s11  }
0xe: {  	s11 =	simm.s32 $0x2100;
	s12 =	simm.s32 $0x1;
	s16 =	sshrl.u32 s6, $0x3  }
.LBB2_1:
0xf: {  	[tilespmem:s11], [sflag:$0x1] =	stream.linear.gather [hbm4b:s5+s3], $0x9E00, $0x38;
	[tilespmem:$0x15D00] =	vst v63  }
0x10: {  	_ =	swait.ge [sflag:s12], $0x9E00  }
0x11: {  	[sflag:s12] =	ssyncset.done $0x0  }
0x12: {  	[sflag:s12] =	ssyncadd.s32 $0xFFFF6200  }
0x13: {  	[spmem:s6] =	stream.linear.scatter [tilespmem:s11], [sflag:$0x1], $0x9E00, $0x38;
	[tilespmem:$0x15D00] =	vst v63  }
0x14: {  	_ =	swait.ge [sflag:s12], $0x9E00  }
0x15: {  	[sflag:s12] =	ssyncset.done $0x0  }
0x16: {  	[sflag:s12] =	ssyncadd.s32 $0xFFFF6200  }
0x17: {  	s18 =	sadd.s32 $0x0, s10;
	[bflag:$0x0] =	sbarrier.arrive $0xFFFF  }
0x18: {  	[tilespmem:s3], [sflag:$0x1] =	stream.linear.gather [hbm4b:s18+s3], $0x80, $0x38;
	[tilespmem:$0x15D00] =	vst v63  }
0x19: {  	_ =	swait.ge [sflag:s12], $0x80  }
0x1a: {  	[sflag:s12] =	ssyncset.done $0x0  }
0x1b: {  	s31 =	sadd.s32 $0x0, s9;
	[sflag:s12] =	ssyncadd.s32 $0xFFFFFF80  }
0x1c: {  	[tilespmem:s13], [sflag:$0x1] =	stream.linear.gather [hbm4b:s31+s3], $0x80, $0x38;
	[tilespmem:$0x15D00] =	vst v63  }
0x1d: {  	_ =	swait.ge [sflag:s12], $0x80  }
0x1e: {  	[sflag:s12] =	ssyncset.done $0x0  }
0x1f: {  	[sflag:s12] =	ssyncadd.s32 $0xFFFFFF80  }
0x20: {  	[tilespmem:s14], [sflag:$0x1] =	stream.indirect.gather [hbm4b:s4+s13], $0x40, s3, s13, $0xb8;
	[tilespmem:$0x15D00] =	vst v63  }
0x21: {  	_ =	swait.ge [sflag:s12], $0x2000  }
0x22: {  	[sflag:s12] =	ssyncset.done $0x0  }
0x23: {  	[sflag:s12] =	ssyncadd.s32 $0xFFFFE000  }
0x24: {  	[spmem:s2] =	stream.indirect.scatter.add.f32 [tilespmem:s14], [sflag:$0x1], $0x40, s13, s13, $0xb8;
	[tilespmem:$0x15D00] =	vst v63  }
0x25: {  	_ =	swait.ge [sflag:s12], $0x2000  }
0x26: {  	s19 =	simm.s32 $0x20;
	s18 =	simm.s32 $0x10;
	[sflag:s12] =	ssyncset.done $0x0  }
.LBB2_2:
0x27: {  	s20 =	sadd.s32 s18, s10  }
0x28: {  	[sflag:s12] =	ssyncadd.s32 $0xFFFFE000;
	s21 =	smov.u32 s19;
	s22 =	sadd.s32 $0x10, s19  }
0x29: {  	[tilespmem:s3], [sflag:$0x1] =	stream.linear.gather [hbm4b:s20+s3], $0x80, $0x38;
	[tilespmem:$0x15D00] =	vst v63  }
0x2a: {  	p0 =	sne.s32 s19, $0x4E0;
	_ =	swait.ge [sflag:s12], $0x80  }
0x2b: {  	[sflag:s12] =	ssyncset.done $0x0  }
0x2c: {  	s19 =	sadd.s32 s18, s9;
	s18 =	smov.u32 s21;
	[sflag:s12] =	ssyncadd.s32 $0xFFFFFF80  }
0x2d: {  	[tilespmem:s13], [sflag:$0x1] =	stream.linear.gather [hbm4b:s19+s3], $0x80, $0x38;
	[tilespmem:$0x15D00] =	vst v63  }
0x2e: {  	_ =	swait.ge [sflag:s12], $0x80  }
0x2f: {  	[sflag:s12] =	ssyncset.done $0x0  }
0x30: {  	[sflag:s12] =	ssyncadd.s32 $0xFFFFFF80  }
0x31: {  	[tilespmem:s14], [sflag:$0x1] =	stream.indirect.gather [hbm4b:s4+s13], $0x40, s3, s13, $0xb8;
	[tilespmem:$0x15D00] =	vst v63  }
0x32: {  	_ =	swait.ge [sflag:s12], $0x2000  }
.Ltmp0:
0x33: {  	[sflag:s12] =	ssyncset.done $0x0;
	(pc) =	sbr.rel @p0 .LBB2_2-.Ltmp0, $4  }
0x34: {  	[sflag:s12] =	ssyncadd.s32 $0xFFFFE000  }
0x35: {  	[spmem:s2] =	stream.indirect.scatter.add.f32 [tilespmem:s14], [sflag:$0x1], $0x40, s13, s13, $0xb8;
	[tilespmem:$0x15D00] =	vst v63  }
0x36: {  	_ =	swait.ge [sflag:s12], $0x2000  }
0x37: {  	s19 =	smov.u32 s22;
	[sflag:s12] =	ssyncset.done $0x0  }
0x38: {  	s19 =	sadd.s32 s18, s10;
	[sflag:s12] =	ssyncadd.s32 $0xFFFFE000  }
0x39: {  	[tilespmem:s3], [sflag:$0x1] =	stream.linear.gather [hbm4b:s19+s3], $0x80, $0x38;
	[tilespmem:$0x15D00] =	vst v63  }
0x3a: {  	_ =	swait.ge [sflag:s12], $0x80  }
0x3b: {  	[sflag:s12] =	ssyncset.done $0x0  }
0x3c: {  	s31 =	sadd.s32 s18, s9;
	[sflag:s12] =	ssyncadd.s32 $0xFFFFFF80  }
0x3d: {  	[tilespmem:s13], [sflag:$0x1] =	stream.linear.gather [hbm4b:s31+s3], $0x80, $0x38;
	[tilespmem:$0x15D00] =	vst v63  }
0x3e: {  	_ =	swait.ge [sflag:s12], $0x80  }
0x3f: {  	[sflag:s12] =	ssyncset.done $0x0  }
0x40: {  	[sflag:s12] =	ssyncadd.s32 $0xFFFFFF80  }
0x41: {  	[tilespmem:s14], [sflag:$0x1] =	stream.indirect.gather [hbm4b:s4+s13], $0x40, s3, s13, $0xb8;
	[tilespmem:$0x15D00] =	vst v63  }
0x42: {  	_ =	swait.ge [sflag:s12], $0x2000  }
0x43: {  	[sflag:s12] =	ssyncset.done $0x0  }
0x44: {  	[sflag:s12] =	ssyncadd.s32 $0xFFFFE000  }
0x45: {  	[spmem:s2] =	stream.indirect.scatter.add.f32 [tilespmem:s14], [sflag:$0x1], $0x40, s13, s13, $0xb8;
	[tilespmem:$0x15D00] =	vst v63  }
0x46: {  	_ =	swait.ge [sflag:s12], $0x2000  }
0x47: {  	s17 =	sadd.s32 $0x1, s17;
	[sflag:s12] =	ssyncset.done $0x0  }
0x48: {  	p0 =	sne.s32 s17, s8;
	[sflag:s12] =	ssyncadd.s32 $0xFFFFE000  }
.Ltmp1:
0x49: {  	[bflag:$0x0] =	sbarrier.arrive $0xFFFF;
	(pc) =	sbr.rel @p0 .LBB2_1-.Ltmp1, $4  }
0x4a: {  	[hbm:s7], [sflag:s15] =	dma.local [spmem:s16], $0x13C0  }
0x4b: {  	_ =	swait.ge [sflag:s12], $0x13C0  }
0x4c: {  	[sflag:s12] =	ssyncset.done $0x0  }
0x4d: {  	[sflag:s12] =	ssyncadd.s32 $0xFFFFEC40  }
0x4e: {  	_ =	sfence.sel $0x180000  }
0x4f: {  	[bflag:$0x0] =	sbarrier.arrive $0xFFFF  }
0x50: {  	p0 =	sne.s32 s0, $0x0;
	_ =	strace $0x9000004A  }
0x51: {  	s0 =	sadd.s32 @!p0 $0x100000, s1;
	[bflag:$0x2] =	sbarrier.arrive $0xFFFF  }
0x52: {  	[sflag:s0] =	ssyncadd.tile.s32 @!p0 $0x1;
	_ =	shalt  }
.Lfunc_end2:
_tile_overlayer_lowered:
.L_overlay_start_2:
0x53: {  	(tag) =	ssettag $0x2  }
0x54: {  	s0 =	rddreg [dreg:$0x0];
	s2 =	stileid.u32  }
0x55: {  	s1 =	rddreg [dreg:$0x1];
	p0 =	sne.s32 s2, $0x0  }
0x56: {  	s3 =	rddreg [dreg:$0x2];
	[bflag:$0x3] =	sbarrier.arrive $0xFFFF;
	s2 =	simm.s32 @!p0 $0x1C01  }
0x57: {  	[timem:s3], [sflag:s2] =	dma.local @!p0 [hbm:s0], s1  }
0x58: {  	s0 =	simm.s32 @!p0 $0x1  }
0x59: {  	_ =	swait.ge @!p0 [sflag:s0], s1  }
0x5a: {  	s1 =	ssub.s32 @!p0 $0x0, s1;
	[sflag:s0] =	ssyncset.done @!p0 $0x0  }
0x5b: {  	[sflag:s0] =	ssyncadd.s32 @!p0 s1  }
0x5c: {  	[bflag:$0x3] =	sbarrier.arrive $0xFFFF  }
0x5d: {  	_ =	shalt  }

</sc_bundles>
